<compile_context>
chip_gen: v7x
topology: tpu7x:2x2x1
jax: 0.10.2.dev20260603
libtpu: 0.0.44.dev20260713+nightly
codegen_flags: <defaults>
</compile_context>

<pallas_src>
import functools

import jax
import jax.numpy as jnp
from jax import lax
from jax.experimental import pallas as pl
from jax.experimental.pallas import tpu as pltpu
from jax.experimental.pallas import tpu_sc as plsc

N = 10000
E = 320000
D = 128
T = 100

NC, NS = 2, 16
NW = NC * NS
EPW = E // NW
CW = 80
NCH = EPW // CW
NP = 10240
RPT = NP // NS
NB = 25
RB = N // NB

_MESH = plsc.VectorSubcoreMesh(
    core_axis_name="c", subcore_axis_name="s", num_cores=NC, num_subcores=NS)


@functools.partial(
    pl.kernel,
    out_type=jax.ShapeDtypeStruct((NC * NP, D), jnp.float32),
    mesh=_MESH,
    scratch_types=[
        pltpu.VMEM((NCH, CW), jnp.int32),
        pltpu.VMEM((CW, D), jnp.float32),
        pltpu.VMEM_SHARED((NP, D), jnp.float32),
        pltpu.SemaphoreType.DMA,
    ],
)
def _deg_sc(dst_hbm, ones_hbm, zero_hbm, out_hbm, didx, ones_v, acc_sh, sem):
    c = lax.axis_index("c")
    s = lax.axis_index("s")
    wid = s * NC + c
    pltpu.sync_copy(ones_hbm, ones_v)
    pltpu.sync_copy(dst_hbm.at[wid], didx)

    def zero_stripe(j, _):
        pltpu.sync_copy(zero_hbm, acc_sh.at[pl.ds(s * RPT + j * CW, CW)])
        return 0
    lax.fori_loop(0, RPT // CW, zero_stripe, 0)
    plsc.subcore_barrier()

    def body(i, _):
        pltpu.async_copy(ones_v, acc_sh.at[didx.at[i]], sem, add=True)
        return 0
    lax.fori_loop(0, NCH, body, 0)

    def drain(i, _):
        pltpu.make_async_copy(ones_v, acc_sh.at[didx.at[i]], sem).wait()
        return 0
    lax.fori_loop(0, NCH, drain, 0)
    plsc.subcore_barrier()

    def copy_out(j, _):
        pltpu.sync_copy(acc_sh.at[pl.ds(s * RPT + j * CW, CW)], ones_v)
        pltpu.sync_copy(ones_v,
                        out_hbm.at[pl.ds(c * NP + s * RPT + j * CW, CW)])
        return 0
    lax.fori_loop(0, RPT // CW, copy_out, 0)


@functools.partial(
    pl.kernel,
    out_type=jax.ShapeDtypeStruct((NC * NP, D), jnp.float32),
    mesh=_MESH,
    scratch_types=[
        pltpu.VMEM((CW,), jnp.int32),
        pltpu.VMEM((CW,), jnp.int32),
        pltpu.VMEM((NCH, CW), jnp.int32),
        pltpu.VMEM((CW, D), jnp.float32),
        pltpu.VMEM((CW, D), jnp.float32),
        pltpu.VMEM_SHARED((NP, D), jnp.float32),
        pltpu.SemaphoreType.DMA,
        pltpu.SemaphoreType.DMA,
    ],
)
def _mp_sc(g_hbm, src_hbm, dst_hbm, zero_hbm, out_hbm, sidx_a, sidx_b, didx,
           rows_a, rows_b, acc_sh, sem_a, sem_b):
    c = lax.axis_index("c")
    s = lax.axis_index("s")
    wid = s * NC + c
    ebase = wid * EPW
    pltpu.sync_copy(dst_hbm.at[wid], didx)

    def zero_stripe(j, _):
        pltpu.sync_copy(zero_hbm, acc_sh.at[pl.ds(s * RPT + j * CW, CW)])
        return 0
    lax.fori_loop(0, RPT // CW, zero_stripe, 0)
    plsc.subcore_barrier()

    pltpu.sync_copy(src_hbm.at[pl.ds(ebase, CW)], sidx_a)
    pltpu.async_copy(g_hbm.at[sidx_a], rows_a, sem_a)

    def body(j, _):
        i0 = 2 * j
        pltpu.sync_copy(src_hbm.at[pl.ds(ebase + (i0 + 1) * CW, CW)], sidx_b)
        pltpu.async_copy(g_hbm.at[sidx_b], rows_b, sem_b)
        pltpu.make_async_copy(g_hbm.at[sidx_a], rows_a, sem_a).wait()
        pltpu.sync_copy(rows_a, acc_sh.at[didx.at[i0]], add=True)
        pltpu.sync_copy(src_hbm.at[pl.ds(ebase + (i0 + 2) * CW, CW)], sidx_a)
        pltpu.async_copy(g_hbm.at[sidx_a], rows_a, sem_a)
        pltpu.make_async_copy(g_hbm.at[sidx_b], rows_b, sem_b).wait()
        pltpu.sync_copy(rows_b, acc_sh.at[didx.at[i0 + 1]], add=True)
        return 0
    lax.fori_loop(0, NCH // 2, body, 0)

    pltpu.make_async_copy(g_hbm.at[sidx_a], rows_a, sem_a).wait()
    pltpu.sync_copy(rows_a, acc_sh.at[didx.at[NCH - 1]], add=True)
    plsc.subcore_barrier()

    def copy_out(j, _):
        pltpu.sync_copy(acc_sh.at[pl.ds(s * RPT + j * CW, CW)], rows_a)
        pltpu.sync_copy(rows_a,
                        out_hbm.at[pl.ds(c * NP + s * RPT + j * CW, CW)])
        return 0
    lax.fori_loop(0, RPT // CW, copy_out, 0)


def _mat1_body(deg_ref, x_ref, w_ref, g_ref, dinv_ref):
    deg = deg_ref[0, :, 0:1] + deg_ref[1, :, 0:1] + 1.0
    dinv = lax.rsqrt(deg)
    dinv_ref[...] = dinv
    g_ref[...] = jnp.dot(x_ref[...], w_ref[...],
                         preferred_element_type=jnp.float32) * dinv


def _mat1(deg2, x, w1):
    return pl.pallas_call(
        _mat1_body,
        grid=(NB,),
        in_specs=[
            pl.BlockSpec((NC, RB, D), lambda i: (0, i, 0)),
            pl.BlockSpec((RB, D), lambda i: (i, 0)),
            pl.BlockSpec((D, D), lambda i: (0, 0)),
        ],
        out_specs=[
            pl.BlockSpec((RB, D), lambda i: (i, 0)),
            pl.BlockSpec((RB, 1), lambda i: (i, 0)),
        ],
        out_shape=[
            jax.ShapeDtypeStruct((N, D), jnp.float32),
            jax.ShapeDtypeStruct((N, 1), jnp.float32),
        ],
    )(deg2, x, w1)


def _mat2_body(acc_ref, g1_ref, dinv_ref, b1_ref, w2_ref, g2_ref):
    dinv = dinv_ref[...]
    h1 = jax.nn.relu(dinv * (acc_ref[0] + acc_ref[1] + g1_ref[...])
                     + b1_ref[...])
    g2_ref[...] = jnp.dot(h1, w2_ref[...],
                          preferred_element_type=jnp.float32) * dinv


def _mat2(acc1, g1, dinv, b1, w2):
    return pl.pallas_call(
        _mat2_body,
        grid=(NB,),
        in_specs=[
            pl.BlockSpec((NC, RB, D), lambda i: (0, i, 0)),
            pl.BlockSpec((RB, D), lambda i: (i, 0)),
            pl.BlockSpec((RB, 1), lambda i: (i, 0)),
            pl.BlockSpec((1, D), lambda i: (0, 0)),
            pl.BlockSpec((D, D), lambda i: (0, 0)),
        ],
        out_specs=pl.BlockSpec((RB, D), lambda i: (i, 0)),
        out_shape=jax.ShapeDtypeStruct((N, D), jnp.float32),
    )(acc1, g1, dinv, b1, w2)


def _final_body(acc_ref, g2_ref, dinv_ref, b2_ref, tid_ref,
                wout_ref, bout_ref, wenc_ref, benc_ref, wattn_ref, battn_ref,
                wcls_ref, bcls_ref,
                logits_ref, attn_ref, embs_ref, pool_acc, cnt_acc):
    i = pl.program_id(0)
    nb = pl.num_programs(0)

    @pl.when(i == 0)
    def _init():
        pool_acc[...] = jnp.zeros_like(pool_acc)
        cnt_acc[...] = jnp.zeros_like(cnt_acc)

    h2 = jax.nn.relu(dinv_ref[...] * (acc_ref[0] + acc_ref[1] + g2_ref[...])
                     + b2_ref[...])
    tids = tid_ref[0, 0:1, :]
    iota = lax.broadcasted_iota(jnp.int32, (128, tids.shape[1]), 0)
    oh = (tids == iota).astype(jnp.float32)
    pool_acc[...] += jnp.dot(oh, h2, preferred_element_type=jnp.float32)
    cnt_acc[...] += jnp.sum(oh, axis=1, keepdims=True)

    @pl.when(i == nb - 1)
    def _fin():
        pooled = pool_acc[...] / jnp.maximum(cnt_acc[...], 1.0)
        embs = jnp.dot(pooled, wout_ref[...],
                       preferred_element_type=jnp.float32) + bout_ref[...]
        z = jax.nn.relu(jnp.dot(embs, wenc_ref[...],
                                preferred_element_type=jnp.float32)
                        + benc_ref[...])
        sc = jnp.dot(z, wattn_ref[...],
                     preferred_element_type=jnp.float32) + battn_ref[...]
        rid = lax.broadcasted_iota(jnp.int32, (128, 1), 0)
        sc = jnp.where(rid < T, sc, -1e30)
        m = jnp.max(sc, axis=0, keepdims=True)
        e = jnp.where(rid < T, jnp.exp(sc - m), 0.0)
        attn = e / jnp.sum(e, axis=0, keepdims=True)
        slide = jnp.sum(attn * z, axis=0, keepdims=True)
        logits_ref[...] = jnp.dot(slide, wcls_ref[...],
                                  preferred_element_type=jnp.float32) \
            + bcls_ref[...]
        attn_ref[...] = attn[:T, :]
        embs_ref[...] = embs[:T, :]


def _final(acc2, g2, dinv, b2, tid3, wout, bout, wenc, benc, wattn, battn,
           wcls, bcls):
    full = lambda shape: pl.BlockSpec(shape, lambda i: tuple(0 for _ in shape))
    return pl.pallas_call(
        _final_body,
        grid=(NB,),
        in_specs=[
            pl.BlockSpec((NC, RB, D), lambda i: (0, i, 0)),
            pl.BlockSpec((RB, D), lambda i: (i, 0)),
            pl.BlockSpec((RB, 1), lambda i: (i, 0)),
            full((1, D)),
            pl.BlockSpec((1, 1, RB), lambda i: (i, 0, 0)),
            full((D, D)),
            full((1, D)),
            full((D, D)),
            full((1, D)),
            full((D, 1)),
            full((1, 1)),
            full((D, 2)),
            full((1, 2)),
        ],
        out_specs=[
            full((1, 2)),
            full((T, 1)),
            full((T, D)),
        ],
        out_shape=[
            jax.ShapeDtypeStruct((1, 2), jnp.float32),
            jax.ShapeDtypeStruct((T, 1), jnp.float32),
            jax.ShapeDtypeStruct((T, D), jnp.float32),
        ],
        scratch_shapes=[
            pltpu.VMEM((128, D), jnp.float32),
            pltpu.VMEM((128, 1), jnp.float32),
        ],
    )(acc2, g2, dinv, b2, tid3, wout, bout, wenc, benc, wattn, battn,
      wcls, bcls)


def kernel(x, edge_index, tile_ids, W1, b1, W2, b2, Wout, bout, Wenc, benc,
           Wattn, battn, Wcls, bcls):
    src = edge_index[0]
    dst = edge_index[1].reshape(NW, NCH, CW)
    zero128 = jnp.zeros((CW, D), jnp.float32)
    ones128 = jnp.ones((CW, D), jnp.float32)
    tid3 = tile_ids.astype(jnp.int32).reshape(NB, 1, RB)

    deg2 = _deg_sc(dst, ones128, zero128).reshape(NC, NP, D)
    g1, dinv = _mat1(deg2, x, W1)
    acc1 = _mp_sc(g1, src, dst, zero128).reshape(NC, NP, D)
    g2 = _mat2(acc1, g1, dinv, b1.reshape(1, D), W2)
    acc2 = _mp_sc(g2, src, dst, zero128).reshape(NC, NP, D)
    logits, attn, embs = _final(
        acc2, g2, dinv, b2.reshape(1, D), tid3,
        Wout, bout.reshape(1, D), Wenc, benc.reshape(1, D),
        Wattn, battn.reshape(1, 1), Wcls, bcls.reshape(1, 2))
    return (logits, attn, embs)

# --- scband reference (transcript-rebuilt; emitter-appended) ---
"""Pipeline reference for scband-hierarchical-milgnn-51049981280322 (READ-ONLY COPY).

The authoritative reference and input builder live on the scoring server;
editing this copy changes nothing except your own understanding.
"""

import jax, jax.numpy as jnp
import numpy as np

N = 10000
E = 320000
D = 128
H = 128
OUT = 128
T = 100
C = 2


def setup_inputs(seed: int = 0) -> dict:
    key = jax.random.key(seed)
    ks = jax.random.split(key, 16)
    x = jax.random.normal(ks[0], (N, D), dtype=jnp.float32)
    edge_index = jax.random.randint(ks[1], (2, E), 0, N)
    tile_ids = jnp.sort(jax.random.randint(ks[2], (N,), 0, T))
    def lin(k, fi, fo):
        k1, k2 = jax.random.split(k)
        W = jax.random.normal(k1, (fi, fo), dtype=jnp.float32) / np.sqrt(fi)
        b = jax.random.normal(k2, (fo,), dtype=jnp.float32) * 0.01
        return W, b
    W1, b1 = lin(ks[3], D, H)
    W2, b2 = lin(ks[4], H, H)
    Wout, bout = lin(ks[5], H, OUT)
    Wenc, benc = lin(ks[6], OUT, H)
    Wattn, battn = lin(ks[7], H, 1)
    Wcls, bcls = lin(ks[8], H, C)
    return {"x": x, "edge_index": edge_index, "tile_ids": tile_ids,
            "W1": W1, "b1": b1, "W2": W2, "b2": b2, "Wout": Wout, "bout": bout,
            "Wenc": Wenc, "benc": benc, "Wattn": Wattn, "battn": battn,
            "Wcls": Wcls, "bcls": bcls}


def gcn_conv(x, src, dst, W, b):
    n = x.shape[0]
    loop = jnp.arange(n)
    s = jnp.concatenate([src, loop])
    d = jnp.concatenate([dst, loop])
    deg = jnp.zeros((n,), dtype=x.dtype).at[d].add(1.0)
    dinv = jnp.where(deg > 0, 1.0 / jnp.sqrt(deg), 0.0)
    norm = dinv[s] * dinv[d]
    h = x @ W
    msg = h[s] * norm[:, None]
    out = jnp.zeros((n, h.shape[1]), dtype=x.dtype).at[d].add(msg)
    return out + b


def reference(x, edge_index, tile_ids, W1, b1, W2, b2, Wout, bout, Wenc, benc, Wattn, battn, Wcls, bcls):
    src = edge_index[0]
    dst = edge_index[1]
    # SubTileGNN on the batched sub-tile graph
    h = jax.nn.relu(gcn_conv(x, src, dst, W1, b1))
    h = jax.nn.relu(gcn_conv(h, src, dst, W2, b2))
    # global mean pool per tile (batch indices = tile_ids)
    sums = jax.ops.segment_sum(h, tile_ids, num_segments=T)
    cnts = jax.ops.segment_sum(jnp.ones((h.shape[0],), dtype=h.dtype), tile_ids, num_segments=T)
    pooled = sums / jnp.maximum(cnts, 1.0)[:, None]
    tile_embs = pooled @ Wout + bout  # [T, OUT]
    # TileMILAggregator
    z = jax.nn.relu(tile_embs @ Wenc + benc)
    attn_scores = z @ Wattn + battn  # [T, 1]
    attn_weights = jax.nn.softmax(attn_scores, axis=0)
    slide_emb = jnp.sum(attn_weights * z, axis=0, keepdims=True)  # [1, H]
    logits = slide_emb @ Wcls + bcls  # [1, C]
    return (logits, attn_weights, tile_embs)

if __name__ == "__main__":
    import jax
    _d = setup_inputs()
    print(jax.jit(kernel)(*tuple(_d.values())))

</pallas_src>

<mosaic_0001>
#map = affine_map<(d0, d1) -> (0, 0)>
#map1 = affine_map<(d0, d1) -> (0)>
#map2 = affine_map<(d0, d1) -> (0, 0, 0)>
module attributes {stable_mosaic.version = 14 : i64} {
  func.func @_mp_sc(%arg0: i32, %arg1: i32, %arg2: memref<10000x128xf32, #tpu.memory_space<hbm>>, %arg3: memref<320000xi32, #tpu.memory_space<hbm>>, %arg4: memref<32x125x80xi32, #tpu.memory_space<hbm>>, %arg5: memref<80x128xf32, #tpu.memory_space<hbm>>, %arg6: memref<20480x128xf32, #tpu.memory_space<hbm>>, %arg7: memref<80xi32, #tpu.memory_space<vmem>>, %arg8: memref<80xi32, #tpu.memory_space<vmem>>, %arg9: memref<125x80xi32, #tpu.memory_space<vmem>>, %arg10: memref<80x128xf32, #tpu.memory_space<vmem>>, %arg11: memref<80x128xf32, #tpu.memory_space<vmem>>, %arg12: memref<10240x128xf32, #tpu.memory_space<vmem_shared>>, %arg13: memref<!tpu.dma_semaphore, #tpu.memory_space<semaphore_mem>>, %arg14: memref<!tpu.dma_semaphore, #tpu.memory_space<semaphore_mem>>) attributes {dimension_semantics = [#tpu.dimension_semantics<core_parallel>, #tpu.dimension_semantics<subcore_parallel>], iteration_bounds = array<i64: 2, 16>, scalar_prefetch = 0 : i64, scratch_operands = 8 : i64, tpu.core_type = #tpu.core_type<sc_vector_subcore>, window_params = [{transform_indices = #map}, {transform_indices = #map1}, {transform_indices = #map2}, {transform_indices = #map}, {transform_indices = #map}]} {
    %mul3A = arith.constant 2 : i32
    %mul3A_0 = arith.muli %arg1, %mul3A : i32
    %add3A = arith.addi %mul3A_0, %arg0 : i32
    %mul3A_1 = arith.constant 10000 : i32
    %mul3A_2 = arith.muli %add3A, %mul3A_1 : i32
    "tpu.region"() ({
      %run_scoped3A_28 = tpu.sem_alloc : memref<!tpu.dma_semaphore, #tpu.memory_space<semaphore_mem>>
      %dma_start3A_29 = arith.constant 0 : i32
      %dma_start3A_30 = arith.constant 0 : i32
      %dma_start3A_31 = tpu.memref_slice %arg4[%add3A, %dma_start3A_29, %dma_start3A_30] : memref<32x125x80xi32, #tpu.memory_space<hbm>> -> memref<1x125x80xi32, #tpu.memory_space<hbm>>
      %dma_start3A_32 = tpu.memref_squeeze %dma_start3A_31 : memref<1x125x80xi32, #tpu.memory_space<hbm>> -> memref<125x80xi32, #tpu.memory_space<hbm>>
      %dma_start3A_33 = arith.constant 0 : i32
      %dma_start3A_34 = arith.constant 0 : i32
      %dma_start3A_35 = tpu.memref_slice %arg4[%add3A, %dma_start3A_33, %dma_start3A_34] : memref<32x125x80xi32, #tpu.memory_space<hbm>> -> memref<1x125x80xi32, #tpu.memory_space<hbm>>
      %dma_start3A_36 = tpu.memref_squeeze %dma_start3A_35 : memref<1x125x80xi32, #tpu.memory_space<hbm>> -> memref<125x80xi32, #tpu.memory_space<hbm>>
      tpu.enqueue_dma source(%dma_start3A_36 : memref<125x80xi32, #tpu.memory_space<hbm>>) target(%arg9 : memref<125x80xi32, #tpu.memory_space<vmem>>) target_semaphore(%run_scoped3A_28 : memref<!tpu.dma_semaphore, #tpu.memory_space<semaphore_mem>>)
      %dma_wait3A_37 = arith.constant 0 : i32
      %dma_wait3A_38 = arith.constant 0 : i32
      %dma_wait3A_39 = tpu.memref_slice %arg4[%add3A, %dma_wait3A_37, %dma_wait3A_38] : memref<32x125x80xi32, #tpu.memory_space<hbm>> -> memref<1x125x80xi32, #tpu.memory_space<hbm>>
      %dma_wait3A_40 = tpu.memref_squeeze %dma_wait3A_39 : memref<1x125x80xi32, #tpu.memory_space<hbm>> -> memref<125x80xi32, #tpu.memory_space<hbm>>
      %dma_wait3A_41 = arith.constant 0 : i32
      %dma_wait3A_42 = arith.constant 0 : i32
      %dma_wait3A_43 = tpu.memref_slice %arg4[%add3A, %dma_wait3A_41, %dma_wait3A_42] : memref<32x125x80xi32, #tpu.memory_space<hbm>> -> memref<1x125x80xi32, #tpu.memory_space<hbm>>
      %dma_wait3A_44 = tpu.memref_squeeze %dma_wait3A_43 : memref<1x125x80xi32, #tpu.memory_space<hbm>> -> memref<125x80xi32, #tpu.memory_space<hbm>>
      tpu.wait_dma2 semaphore(%run_scoped3A_28 : memref<!tpu.dma_semaphore, #tpu.memory_space<semaphore_mem>>) src(%dma_wait3A_44 : memref<125x80xi32, #tpu.memory_space<hbm>>) dst(%arg9 : memref<125x80xi32, #tpu.memory_space<vmem>>)
      tpu.yield
    }) : () -> ()
    %scan3A = arith.constant 0 : i32
    %scan3A_3 = arith.constant 0 : i32
    %scan3A_4 = arith.constant 8 : i32
    %scan3A_5 = arith.addi %scan3A_3, %scan3A_4 : i32
    %scan3A_6 = arith.constant 1 : i32
    %scan3A_7 = scf.for %scan3A_28 = %scan3A_3 to %scan3A_5 step %scan3A_6 iter_args(%scan3A_29 = %scan3A) -> (i32)  : i32 {
      %mul3A_30 = arith.constant 640 : i32
      %mul3A_31 = arith.muli %arg1, %mul3A_30 : i32
      %mul3A_32 = arith.constant 80 : i32
      %mul3A_33 = arith.muli %scan3A_28, %mul3A_32 : i32
      %add3A_34 = arith.addi %mul3A_31, %mul3A_33 : i32
      "tpu.region"() ({
        %run_scoped3A_36 = tpu.sem_alloc : memref<!tpu.dma_semaphore, #tpu.memory_space<semaphore_mem>>
        %dma_start3A_37 = arith.constant 0 : i32
        %dma_start3A_38 = tpu.memref_slice %arg12[%add3A_34, %dma_start3A_37] : memref<10240x128xf32, #tpu.memory_space<vmem_shared>> -> memref<80x128xf32, #tpu.memory_space<vmem_shared>>
        tpu.enqueue_dma source(%arg5 : memref<80x128xf32, #tpu.memory_space<hbm>>) target(%dma_start3A_38 : memref<80x128xf32, #tpu.memory_space<vmem_shared>>) target_semaphore(%run_scoped3A_36 : memref<!tpu.dma_semaphore, #tpu.memory_space<semaphore_mem>>)
        %dma_wait3A_39 = arith.constant 0 : i32
        %dma_wait3A_40 = tpu.memref_slice %arg12[%add3A_34, %dma_wait3A_39] : memref<10240x128xf32, #tpu.memory_space<vmem_shared>> -> memref<80x128xf32, #tpu.memory_space<vmem_shared>>
        tpu.wait_dma2 semaphore(%run_scoped3A_36 : memref<!tpu.dma_semaphore, #tpu.memory_space<semaphore_mem>>) src(%arg5 : memref<80x128xf32, #tpu.memory_space<hbm>>) dst(%dma_wait3A_40 : memref<80x128xf32, #tpu.memory_space<vmem_shared>>)
        tpu.yield
      }) : () -> ()
      %scan3A_35 = arith.constant 0 : i32
      scf.yield %scan3A_35 : i32
    }
    %scan3A_8 = arith.constant 8 : i32
    %barrier3A = arith.constant 0 : index
    tpu.barrier barrier_id(%barrier3A)
    "tpu.region"() ({
      %run_scoped3A_28 = tpu.sem_alloc : memref<!tpu.dma_semaphore, #tpu.memory_space<semaphore_mem>>
      %dma_start3A_29 = tpu.memref_slice %arg3[%mul3A_2] : memref<320000xi32, #tpu.memory_space<hbm>> -> memref<80xi32, #tpu.memory_space<hbm>>
      %dma_start3A_30 = tpu.memref_slice %arg3[%mul3A_2] : memref<320000xi32, #tpu.memory_space<hbm>> -> memref<80xi32, #tpu.memory_space<hbm>>
      tpu.enqueue_dma source(%dma_start3A_30 : memref<80xi32, #tpu.memory_space<hbm>>) target(%arg7 : memref<80xi32, #tpu.memory_space<vmem>>) target_semaphore(%run_scoped3A_28 : memref<!tpu.dma_semaphore, #tpu.memory_space<semaphore_mem>>)
      %dma_wait3A_31 = tpu.memref_slice %arg3[%mul3A_2] : memref<320000xi32, #tpu.memory_space<hbm>> -> memref<80xi32, #tpu.memory_space<hbm>>
      %dma_wait3A_32 = tpu.memref_slice %arg3[%mul3A_2] : memref<320000xi32, #tpu.memory_space<hbm>> -> memref<80xi32, #tpu.memory_space<hbm>>
      tpu.wait_dma2 semaphore(%run_scoped3A_28 : memref<!tpu.dma_semaphore, #tpu.memory_space<semaphore_mem>>) src(%dma_wait3A_32 : memref<80xi32, #tpu.memory_space<hbm>>) dst(%arg7 : memref<80xi32, #tpu.memory_space<vmem>>)
      tpu.yield
    }) : () -> ()
    %dma_start3A = arith.constant 0 : i32
    %dma_start3A_9 = arith.constant 0 : i32
    %dma_start3A_10 = tpu.memref_slice %arg2[%dma_start3A, %dma_start3A_9] : memref<10000x128xf32, #tpu.memory_space<hbm>> -> memref<10000x128xf32, #tpu.memory_space<hbm>>
    tpu.enqueue_indirect_dma source(%dma_start3A_10 : memref<10000x128xf32, #tpu.memory_space<hbm>>) target(%arg10 : memref<80x128xf32, #tpu.memory_space<vmem>>) offsets(%arg7 : memref<80xi32, #tpu.memory_space<vmem>>) semaphore(%arg13 : memref<!tpu.dma_semaphore, #tpu.memory_space<semaphore_mem>>)
    %scan3A_11 = arith.constant 0 : i32
    %scan3A_12 = arith.constant 0 : i32
    %scan3A_13 = arith.constant 62 : i32
    %scan3A_14 = arith.addi %scan3A_12, %scan3A_13 : i32
    %scan3A_15 = arith.constant 1 : i32
    %scan3A_16 = scf.for %scan3A_28 = %scan3A_12 to %scan3A_14 step %scan3A_15 iter_args(%scan3A_29 = %scan3A_11) -> (i32)  : i32 {
      %mul3A_30 = arith.constant 2 : i32
      %mul3A_31 = arith.muli %mul3A_30, %scan3A_28 : i32
      %add3A_32 = arith.constant 1 : i32
      %add3A_33 = arith.addi %mul3A_31, %add3A_32 : i32
      %mul3A_34 = arith.constant 80 : i32
      %mul3A_35 = arith.muli %add3A_33, %mul3A_34 : i32
      %add3A_36 = arith.addi %mul3A_2, %mul3A_35 : i32
      "tpu.region"() ({
        %run_scoped3A_57 = tpu.sem_alloc : memref<!tpu.dma_semaphore, #tpu.memory_space<semaphore_mem>>
        %dma_start3A_58 = tpu.memref_slice %arg3[%add3A_36] : memref<320000xi32, #tpu.memory_space<hbm>> -> memref<80xi32, #tpu.memory_space<hbm>>
        %dma_start3A_59 = tpu.memref_slice %arg3[%add3A_36] : memref<320000xi32, #tpu.memory_space<hbm>> -> memref<80xi32, #tpu.memory_space<hbm>>
        tpu.enqueue_dma source(%dma_start3A_59 : memref<80xi32, #tpu.memory_space<hbm>>) target(%arg8 : memref<80xi32, #tpu.memory_space<vmem>>) target_semaphore(%run_scoped3A_57 : memref<!tpu.dma_semaphore, #tpu.memory_space<semaphore_mem>>)
        %dma_wait3A_60 = tpu.memref_slice %arg3[%add3A_36] : memref<320000xi32, #tpu.memory_space<hbm>> -> memref<80xi32, #tpu.memory_space<hbm>>
        %dma_wait3A_61 = tpu.memref_slice %arg3[%add3A_36] : memref<320000xi32, #tpu.memory_space<hbm>> -> memref<80xi32, #tpu.memory_space<hbm>>
        tpu.wait_dma2 semaphore(%run_scoped3A_57 : memref<!tpu.dma_semaphore, #tpu.memory_space<semaphore_mem>>) src(%dma_wait3A_61 : memref<80xi32, #tpu.memory_space<hbm>>) dst(%arg8 : memref<80xi32, #tpu.memory_space<vmem>>)
        tpu.yield
      }) : () -> ()
      %dma_start3A_37 = arith.constant 0 : i32
      %dma_start3A_38 = arith.constant 0 : i32
      %dma_start3A_39 = tpu.memref_slice %arg2[%dma_start3A_37, %dma_start3A_38] : memref<10000x128xf32, #tpu.memory_space<hbm>> -> memref<10000x128xf32, #tpu.memory_space<hbm>>
      tpu.enqueue_indirect_dma source(%dma_start3A_39 : memref<10000x128xf32, #tpu.memory_space<hbm>>) target(%arg11 : memref<80x128xf32, #tpu.memory_space<vmem>>) offsets(%arg8 : memref<80xi32, #tpu.memory_space<vmem>>) semaphore(%arg14 : memref<!tpu.dma_semaphore, #tpu.memory_space<semaphore_mem>>)
      %dma_wait3A_40 = arith.constant 0 : i32
      %dma_wait3A_41 = arith.constant 0 : i32
      %dma_wait3A_42 = tpu.memref_slice %arg2[%dma_wait3A_40, %dma_wait3A_41] : memref<10000x128xf32, #tpu.memory_space<hbm>> -> memref<10000x128xf32, #tpu.memory_space<hbm>>
      tpu.wait_indirect_dma semaphore(%arg13 : memref<!tpu.dma_semaphore, #tpu.memory_space<semaphore_mem>>) src(%dma_wait3A_42 : memref<10000x128xf32, #tpu.memory_space<hbm>>) dst(%arg10 : memref<80x128xf32, #tpu.memory_space<vmem>>)
      "tpu.region"() ({
        %run_scoped3A_57 = tpu.sem_alloc : memref<!tpu.dma_semaphore, #tpu.memory_space<semaphore_mem>>
        %dma_start3A_58 = arith.constant 0 : i32
        %dma_start3A_59 = tpu.memref_slice %arg9[%mul3A_31, %dma_start3A_58] : memref<125x80xi32, #tpu.memory_space<vmem>> -> memref<1x80xi32, #tpu.memory_space<vmem>>
        %dma_start3A_60 = tpu.memref_squeeze %dma_start3A_59 : memref<1x80xi32, #tpu.memory_space<vmem>> -> memref<80xi32, #tpu.memory_space<vmem>>
        %dma_start3A_61 = arith.constant 0 : i32
        %dma_start3A_62 = arith.constant 0 : i32
        %dma_start3A_63 = tpu.memref_slice %arg12[%dma_start3A_61, %dma_start3A_62] : memref<10240x128xf32, #tpu.memory_space<vmem_shared>> -> memref<10240x128xf32, #tpu.memory_space<vmem_shared>>
        tpu.enqueue_indirect_dma source(%arg10 : memref<80x128xf32, #tpu.memory_space<vmem>>) target(%dma_start3A_63 : memref<10240x128xf32, #tpu.memory_space<vmem_shared>>) offsets(%dma_start3A_60 : memref<80xi32, #tpu.memory_space<vmem>>) semaphore(%run_scoped3A_57 : memref<!tpu.dma_semaphore, #tpu.memory_space<semaphore_mem>>) {add = true}
        %dma_wait3A_64 = arith.constant 0 : i32
        %dma_wait3A_65 = tpu.memref_slice %arg9[%mul3A_31, %dma_wait3A_64] : memref<125x80xi32, #tpu.memory_space<vmem>> -> memref<1x80xi32, #tpu.memory_space<vmem>>
        %dma_wait3A_66 = tpu.memref_squeeze %dma_wait3A_65 : memref<1x80xi32, #tpu.memory_space<vmem>> -> memref<80xi32, #tpu.memory_space<vmem>>
        %dma_wait3A_67 = arith.constant 0 : i32
        %dma_wait3A_68 = arith.constant 0 : i32
        %dma_wait3A_69 = tpu.memref_slice %arg12[%dma_wait3A_67, %dma_wait3A_68] : memref<10240x128xf32, #tpu.memory_space<vmem_shared>> -> memref<10240x128xf32, #tpu.memory_space<vmem_shared>>
        tpu.wait_indirect_dma semaphore(%run_scoped3A_57 : memref<!tpu.dma_semaphore, #tpu.memory_space<semaphore_mem>>) src(%arg10 : memref<80x128xf32, #tpu.memory_space<vmem>>) dst(%dma_wait3A_69 : memref<10240x128xf32, #tpu.memory_space<vmem_shared>>)
        tpu.yield
      }) : () -> ()
      %add3A_43 = arith.constant 2 : i32
      %add3A_44 = arith.addi %mul3A_31, %add3A_43 : i32
      %mul3A_45 = arith.constant 80 : i32
      %mul3A_46 = arith.muli %add3A_44, %mul3A_45 : i32
      %add3A_47 = arith.addi %mul3A_2, %mul3A_46 : i32
      "tpu.region"() ({
        %run_scoped3A_57 = tpu.sem_alloc : memref<!tpu.dma_semaphore, #tpu.memory_space<semaphore_mem>>
        %dma_start3A_58 = tpu.memref_slice %arg3[%add3A_47] : memref<320000xi32, #tpu.memory_space<hbm>> -> memref<80xi32, #tpu.memory_space<hbm>>
        %dma_start3A_59 = tpu.memref_slice %arg3[%add3A_47] : memref<320000xi32, #tpu.memory_space<hbm>> -> memref<80xi32, #tpu.memory_space<hbm>>
        tpu.enqueue_dma source(%dma_start3A_59 : memref<80xi32, #tpu.memory_space<hbm>>) target(%arg7 : memref<80xi32, #tpu.memory_space<vmem>>) target_semaphore(%run_scoped3A_57 : memref<!tpu.dma_semaphore, #tpu.memory_space<semaphore_mem>>)
        %dma_wait3A_60 = tpu.memref_slice %arg3[%add3A_47] : memref<320000xi32, #tpu.memory_space<hbm>> -> memref<80xi32, #tpu.memory_space<hbm>>
        %dma_wait3A_61 = tpu.memref_slice %arg3[%add3A_47] : memref<320000xi32, #tpu.memory_space<hbm>> -> memref<80xi32, #tpu.memory_space<hbm>>
        tpu.wait_dma2 semaphore(%run_scoped3A_57 : memref<!tpu.dma_semaphore, #tpu.memory_space<semaphore_mem>>) src(%dma_wait3A_61 : memref<80xi32, #tpu.memory_space<hbm>>) dst(%arg7 : memref<80xi32, #tpu.memory_space<vmem>>)
        tpu.yield
      }) : () -> ()
      %dma_start3A_48 = arith.constant 0 : i32
      %dma_start3A_49 = arith.constant 0 : i32
      %dma_start3A_50 = tpu.memref_slice %arg2[%dma_start3A_48, %dma_start3A_49] : memref<10000x128xf32, #tpu.memory_space<hbm>> -> memref<10000x128xf32, #tpu.memory_space<hbm>>
      tpu.enqueue_indirect_dma source(%dma_start3A_50 : memref<10000x128xf32, #tpu.memory_space<hbm>>) target(%arg10 : memref<80x128xf32, #tpu.memory_space<vmem>>) offsets(%arg7 : memref<80xi32, #tpu.memory_space<vmem>>) semaphore(%arg13 : memref<!tpu.dma_semaphore, #tpu.memory_space<semaphore_mem>>)
      %dma_wait3A_51 = arith.constant 0 : i32
      %dma_wait3A_52 = arith.constant 0 : i32
      %dma_wait3A_53 = tpu.memref_slice %arg2[%dma_wait3A_51, %dma_wait3A_52] : memref<10000x128xf32, #tpu.memory_space<hbm>> -> memref<10000x128xf32, #tpu.memory_space<hbm>>
      tpu.wait_indirect_dma semaphore(%arg14 : memref<!tpu.dma_semaphore, #tpu.memory_space<semaphore_mem>>) src(%dma_wait3A_53 : memref<10000x128xf32, #tpu.memory_space<hbm>>) dst(%arg11 : memref<80x128xf32, #tpu.memory_space<vmem>>)
      %add3A_54 = arith.constant 1 : i32
      %add3A_55 = arith.addi %mul3A_31, %add3A_54 : i32
      "tpu.region"() ({
        %run_scoped3A_57 = tpu.sem_alloc : memref<!tpu.dma_semaphore, #tpu.memory_space<semaphore_mem>>
        %dma_start3A_58 = arith.constant 0 : i32
        %dma_start3A_59 = tpu.memref_slice %arg9[%add3A_55, %dma_start3A_58] : memref<125x80xi32, #tpu.memory_space<vmem>> -> memref<1x80xi32, #tpu.memory_space<vmem>>
        %dma_start3A_60 = tpu.memref_squeeze %dma_start3A_59 : memref<1x80xi32, #tpu.memory_space<vmem>> -> memref<80xi32, #tpu.memory_space<vmem>>
        %dma_start3A_61 = arith.constant 0 : i32
        %dma_start3A_62 = arith.constant 0 : i32
        %dma_start3A_63 = tpu.memref_slice %arg12[%dma_start3A_61, %dma_start3A_62] : memref<10240x128xf32, #tpu.memory_space<vmem_shared>> -> memref<10240x128xf32, #tpu.memory_space<vmem_shared>>
        tpu.enqueue_indirect_dma source(%arg11 : memref<80x128xf32, #tpu.memory_space<vmem>>) target(%dma_start3A_63 : memref<10240x128xf32, #tpu.memory_space<vmem_shared>>) offsets(%dma_start3A_60 : memref<80xi32, #tpu.memory_space<vmem>>) semaphore(%run_scoped3A_57 : memref<!tpu.dma_semaphore, #tpu.memory_space<semaphore_mem>>) {add = true}
        %dma_wait3A_64 = arith.constant 0 : i32
        %dma_wait3A_65 = tpu.memref_slice %arg9[%add3A_55, %dma_wait3A_64] : memref<125x80xi32, #tpu.memory_space<vmem>> -> memref<1x80xi32, #tpu.memory_space<vmem>>
        %dma_wait3A_66 = tpu.memref_squeeze %dma_wait3A_65 : memref<1x80xi32, #tpu.memory_space<vmem>> -> memref<80xi32, #tpu.memory_space<vmem>>
        %dma_wait3A_67 = arith.constant 0 : i32
        %dma_wait3A_68 = arith.constant 0 : i32
        %dma_wait3A_69 = tpu.memref_slice %arg12[%dma_wait3A_67, %dma_wait3A_68] : memref<10240x128xf32, #tpu.memory_space<vmem_shared>> -> memref<10240x128xf32, #tpu.memory_space<vmem_shared>>
        tpu.wait_indirect_dma semaphore(%run_scoped3A_57 : memref<!tpu.dma_semaphore, #tpu.memory_space<semaphore_mem>>) src(%arg11 : memref<80x128xf32, #tpu.memory_space<vmem>>) dst(%dma_wait3A_69 : memref<10240x128xf32, #tpu.memory_space<vmem_shared>>)
        tpu.yield
      }) : () -> ()
      %scan3A_56 = arith.constant 0 : i32
      scf.yield %scan3A_56 : i32
    }
    %scan3A_17 = arith.constant 62 : i32
    %dma_wait3A = arith.constant 0 : i32
    %dma_wait3A_18 = arith.constant 0 : i32
    %dma_wait3A_19 = tpu.memref_slice %arg2[%dma_wait3A, %dma_wait3A_18] : memref<10000x128xf32, #tpu.memory_space<hbm>> -> memref<10000x128xf32, #tpu.memory_space<hbm>>
    tpu.wait_indirect_dma semaphore(%arg13 : memref<!tpu.dma_semaphore, #tpu.memory_space<semaphore_mem>>) src(%dma_wait3A_19 : memref<10000x128xf32, #tpu.memory_space<hbm>>) dst(%arg10 : memref<80x128xf32, #tpu.memory_space<vmem>>)
    %run_scoped3A = arith.constant 124 : i32
    "tpu.region"() ({
      %run_scoped3A_28 = tpu.sem_alloc : memref<!tpu.dma_semaphore, #tpu.memory_space<semaphore_mem>>
      %dma_start3A_29 = arith.constant 0 : i32
      %dma_start3A_30 = tpu.memref_slice %arg9[%run_scoped3A, %dma_start3A_29] : memref<125x80xi32, #tpu.memory_space<vmem>> -> memref<1x80xi32, #tpu.memory_space<vmem>>
      %dma_start3A_31 = tpu.memref_squeeze %dma_start3A_30 : memref<1x80xi32, #tpu.memory_space<vmem>> -> memref<80xi32, #tpu.memory_space<vmem>>
      %dma_start3A_32 = arith.constant 0 : i32
      %dma_start3A_33 = arith.constant 0 : i32
      %dma_start3A_34 = tpu.memref_slice %arg12[%dma_start3A_32, %dma_start3A_33] : memref<10240x128xf32, #tpu.memory_space<vmem_shared>> -> memref<10240x128xf32, #tpu.memory_space<vmem_shared>>
      tpu.enqueue_indirect_dma source(%arg10 : memref<80x128xf32, #tpu.memory_space<vmem>>) target(%dma_start3A_34 : memref<10240x128xf32, #tpu.memory_space<vmem_shared>>) offsets(%dma_start3A_31 : memref<80xi32, #tpu.memory_space<vmem>>) semaphore(%run_scoped3A_28 : memref<!tpu.dma_semaphore, #tpu.memory_space<semaphore_mem>>) {add = true}
      %dma_wait3A_35 = arith.constant 0 : i32
      %dma_wait3A_36 = tpu.memref_slice %arg9[%run_scoped3A, %dma_wait3A_35] : memref<125x80xi32, #tpu.memory_space<vmem>> -> memref<1x80xi32, #tpu.memory_space<vmem>>
      %dma_wait3A_37 = tpu.memref_squeeze %dma_wait3A_36 : memref<1x80xi32, #tpu.memory_space<vmem>> -> memref<80xi32, #tpu.memory_space<vmem>>
      %dma_wait3A_38 = arith.constant 0 : i32
      %dma_wait3A_39 = arith.constant 0 : i32
      %dma_wait3A_40 = tpu.memref_slice %arg12[%dma_wait3A_38, %dma_wait3A_39] : memref<10240x128xf32, #tpu.memory_space<vmem_shared>> -> memref<10240x128xf32, #tpu.memory_space<vmem_shared>>
      tpu.wait_indirect_dma semaphore(%run_scoped3A_28 : memref<!tpu.dma_semaphore, #tpu.memory_space<semaphore_mem>>) src(%arg10 : memref<80x128xf32, #tpu.memory_space<vmem>>) dst(%dma_wait3A_40 : memref<10240x128xf32, #tpu.memory_space<vmem_shared>>)
      tpu.yield
    }) : () -> ()
    %barrier3A_20 = arith.constant 0 : index
    tpu.barrier barrier_id(%barrier3A_20)
    %scan3A_21 = arith.constant 0 : i32
    %scan3A_22 = arith.constant 0 : i32
    %scan3A_23 = arith.constant 8 : i32
    %scan3A_24 = arith.addi %scan3A_22, %scan3A_23 : i32
    %scan3A_25 = arith.constant 1 : i32
    %scan3A_26 = scf.for %scan3A_28 = %scan3A_22 to %scan3A_24 step %scan3A_25 iter_args(%scan3A_29 = %scan3A_21) -> (i32)  : i32 {
      %mul3A_30 = arith.constant 640 : i32
      %mul3A_31 = arith.muli %arg1, %mul3A_30 : i32
      %mul3A_32 = arith.constant 80 : i32
      %mul3A_33 = arith.muli %scan3A_28, %mul3A_32 : i32
      %add3A_34 = arith.addi %mul3A_31, %mul3A_33 : i32
      "tpu.region"() ({
        %run_scoped3A_44 = tpu.sem_alloc : memref<!tpu.dma_semaphore, #tpu.memory_space<semaphore_mem>>
        %dma_start3A_45 = arith.constant 0 : i32
        %dma_start3A_46 = tpu.memref_slice %arg12[%add3A_34, %dma_start3A_45] : memref<10240x128xf32, #tpu.memory_space<vmem_shared>> -> memref<80x128xf32, #tpu.memory_space<vmem_shared>>
        %dma_start3A_47 = arith.constant 0 : i32
        %dma_start3A_48 = tpu.memref_slice %arg12[%add3A_34, %dma_start3A_47] : memref<10240x128xf32, #tpu.memory_space<vmem_shared>> -> memref<80x128xf32, #tpu.memory_space<vmem_shared>>
        tpu.enqueue_dma source(%dma_start3A_48 : memref<80x128xf32, #tpu.memory_space<vmem_shared>>) target(%arg10 : memref<80x128xf32, #tpu.memory_space<vmem>>) target_semaphore(%run_scoped3A_44 : memref<!tpu.dma_semaphore, #tpu.memory_space<semaphore_mem>>)
        %dma_wait3A_49 = arith.constant 0 : i32
        %dma_wait3A_50 = tpu.memref_slice %arg12[%add3A_34, %dma_wait3A_49] : memref<10240x128xf32, #tpu.memory_space<vmem_shared>> -> memref<80x128xf32, #tpu.memory_space<vmem_shared>>
        %dma_wait3A_51 = arith.constant 0 : i32
        %dma_wait3A_52 = tpu.memref_slice %arg12[%add3A_34, %dma_wait3A_51] : memref<10240x128xf32, #tpu.memory_space<vmem_shared>> -> memref<80x128xf32, #tpu.memory_space<vmem_shared>>
        tpu.wait_dma2 semaphore(%run_scoped3A_44 : memref<!tpu.dma_semaphore, #tpu.memory_space<semaphore_mem>>) src(%dma_wait3A_52 : memref<80x128xf32, #tpu.memory_space<vmem_shared>>) dst(%arg10 : memref<80x128xf32, #tpu.memory_space<vmem>>)
        tpu.yield
      }) : () -> ()
      %mul3A_35 = arith.constant 10240 : i32
      %mul3A_36 = arith.muli %arg0, %mul3A_35 : i32
      %mul3A_37 = arith.constant 640 : i32
      %mul3A_38 = arith.muli %arg1, %mul3A_37 : i32
      %add3A_39 = arith.addi %mul3A_36, %mul3A_38 : i32
      %mul3A_40 = arith.constant 80 : i32
      %mul3A_41 = arith.muli %scan3A_28, %mul3A_40 : i32
      %add3A_42 = arith.addi %add3A_39, %mul3A_41 : i32
      "tpu.region"() ({
        %run_scoped3A_44 = tpu.sem_alloc : memref<!tpu.dma_semaphore, #tpu.memory_space<semaphore_mem>>
        %dma_start3A_45 = arith.constant 0 : i32
        %dma_start3A_46 = tpu.memref_slice %arg6[%add3A_42, %dma_start3A_45] : memref<20480x128xf32, #tpu.memory_space<hbm>> -> memref<80x128xf32, #tpu.memory_space<hbm>>
        %dma_start3A_47 = arith.constant 0 : i32
        %dma_start3A_48 = tpu.memref_slice %arg6[%add3A_42, %dma_start3A_47] : memref<20480x128xf32, #tpu.memory_space<hbm>> -> memref<80x128xf32, #tpu.memory_space<hbm>>
        tpu.enqueue_dma source(%arg10 : memref<80x128xf32, #tpu.memory_space<vmem>>) target(%dma_start3A_48 : memref<80x128xf32, #tpu.memory_space<hbm>>) target_semaphore(%run_scoped3A_44 : memref<!tpu.dma_semaphore, #tpu.memory_space<semaphore_mem>>)
        %dma_wait3A_49 = arith.constant 0 : i32
        %dma_wait3A_50 = tpu.memref_slice %arg6[%add3A_42, %dma_wait3A_49] : memref<20480x128xf32, #tpu.memory_space<hbm>> -> memref<80x128xf32, #tpu.memory_space<hbm>>
        %dma_wait3A_51 = arith.constant 0 : i32
        %dma_wait3A_52 = tpu.memref_slice %arg6[%add3A_42, %dma_wait3A_51] : memref<20480x128xf32, #tpu.memory_space<hbm>> -> memref<80x128xf32, #tpu.memory_space<hbm>>
        tpu.wait_dma2 semaphore(%run_scoped3A_44 : memref<!tpu.dma_semaphore, #tpu.memory_space<semaphore_mem>>) src(%arg10 : memref<80x128xf32, #tpu.memory_space<vmem>>) dst(%dma_wait3A_52 : memref<80x128xf32, #tpu.memory_space<hbm>>)
        tpu.yield
      }) : () -> ()
      %scan3A_43 = arith.constant 0 : i32
      scf.yield %scan3A_43 : i32
    }
    %scan3A_27 = arith.constant 8 : i32
    return
  }
}

#map = affine_map<(d0, d1) -> (0, 0)>
#map1 = affine_map<(d0, d1) -> (0)>
#map2 = affine_map<(d0, d1) -> (0, 0, 0)>
module attributes {stable_mosaic.version = 14 : i64} {
  func.func @_mp_sc(%arg0: i32, %arg1: i32, %arg2: memref<10000x128xf32, #tpu.memory_space<hbm>>, %arg3: memref<320000xi32, #tpu.memory_space<hbm>>, %arg4: memref<32x125x80xi32, #tpu.memory_space<hbm>>, %arg5: memref<80x128xf32, #tpu.memory_space<hbm>>, %arg6: memref<20480x128xf32, #tpu.memory_space<hbm>>, %arg7: memref<80xi32, #tpu.memory_space<vmem>>, %arg8: memref<80xi32, #tpu.memory_space<vmem>>, %arg9: memref<125x80xi32, #tpu.memory_space<vmem>>, %arg10: memref<80x128xf32, #tpu.memory_space<vmem>>, %arg11: memref<80x128xf32, #tpu.memory_space<vmem>>, %arg12: memref<10240x128xf32, #tpu.memory_space<vmem_shared>>, %arg13: memref<!tpu.dma_semaphore, #tpu.memory_space<semaphore_mem>>, %arg14: memref<!tpu.dma_semaphore, #tpu.memory_space<semaphore_mem>>) attributes {dimension_semantics = [#tpu.dimension_semantics<core_parallel>, #tpu.dimension_semantics<subcore_parallel>], iteration_bounds = array<i64: 2, 16>, scalar_prefetch = 0 : i64, scratch_operands = 8 : i64, tpu.core_type = #tpu.core_type<sc_vector_subcore>, window_params = [{transform_indices = #map}, {transform_indices = #map1}, {transform_indices = #map2}, {transform_indices = #map}, {transform_indices = #map}]} {
    %mul3A = arith.constant 2 : i32
    %mul3A_0 = arith.muli %arg1, %mul3A : i32
    %add3A = arith.addi %mul3A_0, %arg0 : i32
    %mul3A_1 = arith.constant 10000 : i32
    %mul3A_2 = arith.muli %add3A, %mul3A_1 : i32
    "tpu.region"() ({
      %run_scoped3A_28 = tpu.sem_alloc : memref<!tpu.dma_semaphore, #tpu.memory_space<semaphore_mem>>
      %dma_start3A_29 = arith.constant 0 : i32
      %dma_start3A_30 = arith.constant 0 : i32
      %dma_start3A_31 = tpu.memref_slice %arg4[%add3A, %dma_start3A_29, %dma_start3A_30] : memref<32x125x80xi32, #tpu.memory_space<hbm>> -> memref<1x125x80xi32, #tpu.memory_space<hbm>>
      %dma_start3A_32 = tpu.memref_squeeze %dma_start3A_31 : memref<1x125x80xi32, #tpu.memory_space<hbm>> -> memref<125x80xi32, #tpu.memory_space<hbm>>
      %dma_start3A_33 = arith.constant 0 : i32
      %dma_start3A_34 = arith.constant 0 : i32
      %dma_start3A_35 = tpu.memref_slice %arg4[%add3A, %dma_start3A_33, %dma_start3A_34] : memref<32x125x80xi32, #tpu.memory_space<hbm>> -> memref<1x125x80xi32, #tpu.memory_space<hbm>>
      %dma_start3A_36 = tpu.memref_squeeze %dma_start3A_35 : memref<1x125x80xi32, #tpu.memory_space<hbm>> -> memref<125x80xi32, #tpu.memory_space<hbm>>
      tpu.enqueue_dma source(%dma_start3A_36 : memref<125x80xi32, #tpu.memory_space<hbm>>) target(%arg9 : memref<125x80xi32, #tpu.memory_space<vmem>>) target_semaphore(%run_scoped3A_28 : memref<!tpu.dma_semaphore, #tpu.memory_space<semaphore_mem>>)
      %dma_wait3A_37 = arith.constant 0 : i32
      %dma_wait3A_38 = arith.constant 0 : i32
      %dma_wait3A_39 = tpu.memref_slice %arg4[%add3A, %dma_wait3A_37, %dma_wait3A_38] : memref<32x125x80xi32, #tpu.memory_space<hbm>> -> memref<1x125x80xi32, #tpu.memory_space<hbm>>
      %dma_wait3A_40 = tpu.memref_squeeze %dma_wait3A_39 : memref<1x125x80xi32, #tpu.memory_space<hbm>> -> memref<125x80xi32, #tpu.memory_space<hbm>>
      %dma_wait3A_41 = arith.constant 0 : i32
      %dma_wait3A_42 = arith.constant 0 : i32
      %dma_wait3A_43 = tpu.memref_slice %arg4[%add3A, %dma_wait3A_41, %dma_wait3A_42] : memref<32x125x80xi32, #tpu.memory_space<hbm>> -> memref<1x125x80xi32, #tpu.memory_space<hbm>>
      %dma_wait3A_44 = tpu.memref_squeeze %dma_wait3A_43 : memref<1x125x80xi32, #tpu.memory_space<hbm>> -> memref<125x80xi32, #tpu.memory_space<hbm>>
      tpu.wait_dma2 semaphore(%run_scoped3A_28 : memref<!tpu.dma_semaphore, #tpu.memory_space<semaphore_mem>>) src(%dma_wait3A_44 : memref<125x80xi32, #tpu.memory_space<hbm>>) dst(%arg9 : memref<125x80xi32, #tpu.memory_space<vmem>>)
      tpu.yield
    }) : () -> ()
    %scan3A = arith.constant 0 : i32
    %scan3A_3 = arith.constant 0 : i32
    %scan3A_4 = arith.constant 8 : i32
    %scan3A_5 = arith.addi %scan3A_3, %scan3A_4 : i32
    %scan3A_6 = arith.constant 1 : i32
    %scan3A_7 = scf.for %scan3A_28 = %scan3A_3 to %scan3A_5 step %scan3A_6 iter_args(%scan3A_29 = %scan3A) -> (i32)  : i32 {
      %mul3A_30 = arith.constant 640 : i32
      %mul3A_31 = arith.muli %arg1, %mul3A_30 : i32
      %mul3A_32 = arith.constant 80 : i32
      %mul3A_33 = arith.muli %scan3A_28, %mul3A_32 : i32
      %add3A_34 = arith.addi %mul3A_31, %mul3A_33 : i32
      "tpu.region"() ({
        %run_scoped3A_36 = tpu.sem_alloc : memref<!tpu.dma_semaphore, #tpu.memory_space<semaphore_mem>>
        %dma_start3A_37 = arith.constant 0 : i32
        %dma_start3A_38 = tpu.memref_slice %arg12[%add3A_34, %dma_start3A_37] : memref<10240x128xf32, #tpu.memory_space<vmem_shared>> -> memref<80x128xf32, #tpu.memory_space<vmem_shared>>
        tpu.enqueue_dma source(%arg5 : memref<80x128xf32, #tpu.memory_space<hbm>>) target(%dma_start3A_38 : memref<80x128xf32, #tpu.memory_space<vmem_shared>>) target_semaphore(%run_scoped3A_36 : memref<!tpu.dma_semaphore, #tpu.memory_space<semaphore_mem>>)
        %dma_wait3A_39 = arith.constant 0 : i32
        %dma_wait3A_40 = tpu.memref_slice %arg12[%add3A_34, %dma_wait3A_39] : memref<10240x128xf32, #tpu.memory_space<vmem_shared>> -> memref<80x128xf32, #tpu.memory_space<vmem_shared>>
        tpu.wait_dma2 semaphore(%run_scoped3A_36 : memref<!tpu.dma_semaphore, #tpu.memory_space<semaphore_mem>>) src(%arg5 : memref<80x128xf32, #tpu.memory_space<hbm>>) dst(%dma_wait3A_40 : memref<80x128xf32, #tpu.memory_space<vmem_shared>>)
        tpu.yield
      }) : () -> ()
      %scan3A_35 = arith.constant 0 : i32
      scf.yield %scan3A_35 : i32
    }
    %scan3A_8 = arith.constant 8 : i32
    %barrier3A = arith.constant 0 : index
    tpu.barrier barrier_id(%barrier3A)
    "tpu.region"() ({
      %run_scoped3A_28 = tpu.sem_alloc : memref<!tpu.dma_semaphore, #tpu.memory_space<semaphore_mem>>
      %dma_start3A_29 = tpu.memref_slice %arg3[%mul3A_2] : memref<320000xi32, #tpu.memory_space<hbm>> -> memref<80xi32, #tpu.memory_space<hbm>>
      %dma_start3A_30 = tpu.memref_slice %arg3[%mul3A_2] : memref<320000xi32, #tpu.memory_space<hbm>> -> memref<80xi32, #tpu.memory_space<hbm>>
      tpu.enqueue_dma source(%dma_start3A_30 : memref<80xi32, #tpu.memory_space<hbm>>) target(%arg7 : memref<80xi32, #tpu.memory_space<vmem>>) target_semaphore(%run_scoped3A_28 : memref<!tpu.dma_semaphore, #tpu.memory_space<semaphore_mem>>)
      %dma_wait3A_31 = tpu.memref_slice %arg3[%mul3A_2] : memref<320000xi32, #tpu.memory_space<hbm>> -> memref<80xi32, #tpu.memory_space<hbm>>
      %dma_wait3A_32 = tpu.memref_slice %arg3[%mul3A_2] : memref<320000xi32, #tpu.memory_space<hbm>> -> memref<80xi32, #tpu.memory_space<hbm>>
      tpu.wait_dma2 semaphore(%run_scoped3A_28 : memref<!tpu.dma_semaphore, #tpu.memory_space<semaphore_mem>>) src(%dma_wait3A_32 : memref<80xi32, #tpu.memory_space<hbm>>) dst(%arg7 : memref<80xi32, #tpu.memory_space<vmem>>)
      tpu.yield
    }) : () -> ()
    %dma_start3A = arith.constant 0 : i32
    %dma_start3A_9 = arith.constant 0 : i32
    %dma_start3A_10 = tpu.memref_slice %arg2[%dma_start3A, %dma_start3A_9] : memref<10000x128xf32, #tpu.memory_space<hbm>> -> memref<10000x128xf32, #tpu.memory_space<hbm>>
    tpu.enqueue_indirect_dma source(%dma_start3A_10 : memref<10000x128xf32, #tpu.memory_space<hbm>>) target(%arg10 : memref<80x128xf32, #tpu.memory_space<vmem>>) offsets(%arg7 : memref<80xi32, #tpu.memory_space<vmem>>) semaphore(%arg13 : memref<!tpu.dma_semaphore, #tpu.memory_space<semaphore_mem>>)
    %scan3A_11 = arith.constant 0 : i32
    %scan3A_12 = arith.constant 0 : i32
    %scan3A_13 = arith.constant 62 : i32
    %scan3A_14 = arith.addi %scan3A_12, %scan3A_13 : i32
    %scan3A_15 = arith.constant 1 : i32
    %scan3A_16 = scf.for %scan3A_28 = %scan3A_12 to %scan3A_14 step %scan3A_15 iter_args(%scan3A_29 = %scan3A_11) -> (i32)  : i32 {
      %mul3A_30 = arith.constant 2 : i32
      %mul3A_31 = arith.muli %mul3A_30, %scan3A_28 : i32
      %add3A_32 = arith.constant 1 : i32
      %add3A_33 = arith.addi %mul3A_31, %add3A_32 : i32
      %mul3A_34 = arith.constant 80 : i32
      %mul3A_35 = arith.muli %add3A_33, %mul3A_34 : i32
      %add3A_36 = arith.addi %mul3A_2, %mul3A_35 : i32
      "tpu.region"() ({
        %run_scoped3A_57 = tpu.sem_alloc : memref<!tpu.dma_semaphore, #tpu.memory_space<semaphore_mem>>
        %dma_start3A_58 = tpu.memref_slice %arg3[%add3A_36] : memref<320000xi32, #tpu.memory_space<hbm>> -> memref<80xi32, #tpu.memory_space<hbm>>
        %dma_start3A_59 = tpu.memref_slice %arg3[%add3A_36] : memref<320000xi32, #tpu.memory_space<hbm>> -> memref<80xi32, #tpu.memory_space<hbm>>
        tpu.enqueue_dma source(%dma_start3A_59 : memref<80xi32, #tpu.memory_space<hbm>>) target(%arg8 : memref<80xi32, #tpu.memory_space<vmem>>) target_semaphore(%run_scoped3A_57 : memref<!tpu.dma_semaphore, #tpu.memory_space<semaphore_mem>>)
        %dma_wait3A_60 = tpu.memref_slice %arg3[%add3A_36] : memref<320000xi32, #tpu.memory_space<hbm>> -> memref<80xi32, #tpu.memory_space<hbm>>
        %dma_wait3A_61 = tpu.memref_slice %arg3[%add3A_36] : memref<320000xi32, #tpu.memory_space<hbm>> -> memref<80xi32, #tpu.memory_space<hbm>>
        tpu.wait_dma2 semaphore(%run_scoped3A_57 : memref<!tpu.dma_semaphore, #tpu.memory_space<semaphore_mem>>) src(%dma_wait3A_61 : memref<80xi32, #tpu.memory_space<hbm>>) dst(%arg8 : memref<80xi32, #tpu.memory_space<vmem>>)
        tpu.yield
      }) : () -> ()
      %dma_start3A_37 = arith.constant 0 : i32
      %dma_start3A_38 = arith.constant 0 : i32
      %dma_start3A_39 = tpu.memref_slice %arg2[%dma_start3A_37, %dma_start3A_38] : memref<10000x128xf32, #tpu.memory_space<hbm>> -> memref<10000x128xf32, #tpu.memory_space<hbm>>
      tpu.enqueue_indirect_dma source(%dma_start3A_39 : memref<10000x128xf32, #tpu.memory_space<hbm>>) target(%arg11 : memref<80x128xf32, #tpu.memory_space<vmem>>) offsets(%arg8 : memref<80xi32, #tpu.memory_space<vmem>>) semaphore(%arg14 : memref<!tpu.dma_semaphore, #tpu.memory_space<semaphore_mem>>)
      %dma_wait3A_40 = arith.constant 0 : i32
      %dma_wait3A_41 = arith.constant 0 : i32
      %dma_wait3A_42 = tpu.memref_slice %arg2[%dma_wait3A_40, %dma_wait3A_41] : memref<10000x128xf32, #tpu.memory_space<hbm>> -> memref<10000x128xf32, #tpu.memory_space<hbm>>
      tpu.wait_indirect_dma semaphore(%arg13 : memref<!tpu.dma_semaphore, #tpu.memory_space<semaphore_mem>>) src(%dma_wait3A_42 : memref<10000x128xf32, #tpu.memory_space<hbm>>) dst(%arg10 : memref<80x128xf32, #tpu.memory_space<vmem>>)
      "tpu.region"() ({
        %run_scoped3A_57 = tpu.sem_alloc : memref<!tpu.dma_semaphore, #tpu.memory_space<semaphore_mem>>
        %dma_start3A_58 = arith.constant 0 : i32
        %dma_start3A_59 = tpu.memref_slice %arg9[%mul3A_31, %dma_start3A_58] : memref<125x80xi32, #tpu.memory_space<vmem>> -> memref<1x80xi32, #tpu.memory_space<vmem>>
        %dma_start3A_60 = tpu.memref_squeeze %dma_start3A_59 : memref<1x80xi32, #tpu.memory_space<vmem>> -> memref<80xi32, #tpu.memory_space<vmem>>
        %dma_start3A_61 = arith.constant 0 : i32
        %dma_start3A_62 = arith.constant 0 : i32
        %dma_start3A_63 = tpu.memref_slice %arg12[%dma_start3A_61, %dma_start3A_62] : memref<10240x128xf32, #tpu.memory_space<vmem_shared>> -> memref<10240x128xf32, #tpu.memory_space<vmem_shared>>
        tpu.enqueue_indirect_dma source(%arg10 : memref<80x128xf32, #tpu.memory_space<vmem>>) target(%dma_start3A_63 : memref<10240x128xf32, #tpu.memory_space<vmem_shared>>) offsets(%dma_start3A_60 : memref<80xi32, #tpu.memory_space<vmem>>) semaphore(%run_scoped3A_57 : memref<!tpu.dma_semaphore, #tpu.memory_space<semaphore_mem>>) {add = true}
        %dma_wait3A_64 = arith.constant 0 : i32
        %dma_wait3A_65 = tpu.memref_slice %arg9[%mul3A_31, %dma_wait3A_64] : memref<125x80xi32, #tpu.memory_space<vmem>> -> memref<1x80xi32, #tpu.memory_space<vmem>>
        %dma_wait3A_66 = tpu.memref_squeeze %dma_wait3A_65 : memref<1x80xi32, #tpu.memory_space<vmem>> -> memref<80xi32, #tpu.memory_space<vmem>>
        %dma_wait3A_67 = arith.constant 0 : i32
        %dma_wait3A_68 = arith.constant 0 : i32
        %dma_wait3A_69 = tpu.memref_slice %arg12[%dma_wait3A_67, %dma_wait3A_68] : memref<10240x128xf32, #tpu.memory_space<vmem_shared>> -> memref<10240x128xf32, #tpu.memory_space<vmem_shared>>
        tpu.wait_indirect_dma semaphore(%run_scoped3A_57 : memref<!tpu.dma_semaphore, #tpu.memory_space<semaphore_mem>>) src(%arg10 : memref<80x128xf32, #tpu.memory_space<vmem>>) dst(%dma_wait3A_69 : memref<10240x128xf32, #tpu.memory_space<vmem_shared>>)
        tpu.yield
      }) : () -> ()
      %add3A_43 = arith.constant 2 : i32
      %add3A_44 = arith.addi %mul3A_31, %add3A_43 : i32
      %mul3A_45 = arith.constant 80 : i32
      %mul3A_46 = arith.muli %add3A_44, %mul3A_45 : i32
      %add3A_47 = arith.addi %mul3A_2, %mul3A_46 : i32
      "tpu.region"() ({
        %run_scoped3A_57 = tpu.sem_alloc : memref<!tpu.dma_semaphore, #tpu.memory_space<semaphore_mem>>
        %dma_start3A_58 = tpu.memref_slice %arg3[%add3A_47] : memref<320000xi32, #tpu.memory_space<hbm>> -> memref<80xi32, #tpu.memory_space<hbm>>
        %dma_start3A_59 = tpu.memref_slice %arg3[%add3A_47] : memref<320000xi32, #tpu.memory_space<hbm>> -> memref<80xi32, #tpu.memory_space<hbm>>
        tpu.enqueue_dma source(%dma_start3A_59 : memref<80xi32, #tpu.memory_space<hbm>>) target(%arg7 : memref<80xi32, #tpu.memory_space<vmem>>) target_semaphore(%run_scoped3A_57 : memref<!tpu.dma_semaphore, #tpu.memory_space<semaphore_mem>>)
        %dma_wait3A_60 = tpu.memref_slice %arg3[%add3A_47] : memref<320000xi32, #tpu.memory_space<hbm>> -> memref<80xi32, #tpu.memory_space<hbm>>
        %dma_wait3A_61 = tpu.memref_slice %arg3[%add3A_47] : memref<320000xi32, #tpu.memory_space<hbm>> -> memref<80xi32, #tpu.memory_space<hbm>>
        tpu.wait_dma2 semaphore(%run_scoped3A_57 : memref<!tpu.dma_semaphore, #tpu.memory_space<semaphore_mem>>) src(%dma_wait3A_61 : memref<80xi32, #tpu.memory_space<hbm>>) dst(%arg7 : memref<80xi32, #tpu.memory_space<vmem>>)
        tpu.yield
      }) : () -> ()
      %dma_start3A_48 = arith.constant 0 : i32
      %dma_start3A_49 = arith.constant 0 : i32
      %dma_start3A_50 = tpu.memref_slice %arg2[%dma_start3A_48, %dma_start3A_49] : memref<10000x128xf32, #tpu.memory_space<hbm>> -> memref<10000x128xf32, #tpu.memory_space<hbm>>
      tpu.enqueue_indirect_dma source(%dma_start3A_50 : memref<10000x128xf32, #tpu.memory_space<hbm>>) target(%arg10 : memref<80x128xf32, #tpu.memory_space<vmem>>) offsets(%arg7 : memref<80xi32, #tpu.memory_space<vmem>>) semaphore(%arg13 : memref<!tpu.dma_semaphore, #tpu.memory_space<semaphore_mem>>)
      %dma_wait3A_51 = arith.constant 0 : i32
      %dma_wait3A_52 = arith.constant 0 : i32
      %dma_wait3A_53 = tpu.memref_slice %arg2[%dma_wait3A_51, %dma_wait3A_52] : memref<10000x128xf32, #tpu.memory_space<hbm>> -> memref<10000x128xf32, #tpu.memory_space<hbm>>
      tpu.wait_indirect_dma semaphore(%arg14 : memref<!tpu.dma_semaphore, #tpu.memory_space<semaphore_mem>>) src(%dma_wait3A_53 : memref<10000x128xf32, #tpu.memory_space<hbm>>) dst(%arg11 : memref<80x128xf32, #tpu.memory_space<vmem>>)
      %add3A_54 = arith.constant 1 : i32
      %add3A_55 = arith.addi %mul3A_31, %add3A_54 : i32
      "tpu.region"() ({
        %run_scoped3A_57 = tpu.sem_alloc : memref<!tpu.dma_semaphore, #tpu.memory_space<semaphore_mem>>
        %dma_start3A_58 = arith.constant 0 : i32
        %dma_start3A_59 = tpu.memref_slice %arg9[%add3A_55, %dma_start3A_58] : memref<125x80xi32, #tpu.memory_space<vmem>> -> memref<1x80xi32, #tpu.memory_space<vmem>>
        %dma_start3A_60 = tpu.memref_squeeze %dma_start3A_59 : memref<1x80xi32, #tpu.memory_space<vmem>> -> memref<80xi32, #tpu.memory_space<vmem>>
        %dma_start3A_61 = arith.constant 0 : i32
        %dma_start3A_62 = arith.constant 0 : i32
        %dma_start3A_63 = tpu.memref_slice %arg12[%dma_start3A_61, %dma_start3A_62] : memref<10240x128xf32, #tpu.memory_space<vmem_shared>> -> memref<10240x128xf32, #tpu.memory_space<vmem_shared>>
        tpu.enqueue_indirect_dma source(%arg11 : memref<80x128xf32, #tpu.memory_space<vmem>>) target(%dma_start3A_63 : memref<10240x128xf32, #tpu.memory_space<vmem_shared>>) offsets(%dma_start3A_60 : memref<80xi32, #tpu.memory_space<vmem>>) semaphore(%run_scoped3A_57 : memref<!tpu.dma_semaphore, #tpu.memory_space<semaphore_mem>>) {add = true}
        %dma_wait3A_64 = arith.constant 0 : i32
        %dma_wait3A_65 = tpu.memref_slice %arg9[%add3A_55, %dma_wait3A_64] : memref<125x80xi32, #tpu.memory_space<vmem>> -> memref<1x80xi32, #tpu.memory_space<vmem>>
        %dma_wait3A_66 = tpu.memref_squeeze %dma_wait3A_65 : memref<1x80xi32, #tpu.memory_space<vmem>> -> memref<80xi32, #tpu.memory_space<vmem>>
        %dma_wait3A_67 = arith.constant 0 : i32
        %dma_wait3A_68 = arith.constant 0 : i32
        %dma_wait3A_69 = tpu.memref_slice %arg12[%dma_wait3A_67, %dma_wait3A_68] : memref<10240x128xf32, #tpu.memory_space<vmem_shared>> -> memref<10240x128xf32, #tpu.memory_space<vmem_shared>>
        tpu.wait_indirect_dma semaphore(%run_scoped3A_57 : memref<!tpu.dma_semaphore, #tpu.memory_space<semaphore_mem>>) src(%arg11 : memref<80x128xf32, #tpu.memory_space<vmem>>) dst(%dma_wait3A_69 : memref<10240x128xf32, #tpu.memory_space<vmem_shared>>)
        tpu.yield
      }) : () -> ()
      %scan3A_56 = arith.constant 0 : i32
      scf.yield %scan3A_56 : i32
    }
    %scan3A_17 = arith.constant 62 : i32
    %dma_wait3A = arith.constant 0 : i32
    %dma_wait3A_18 = arith.constant 0 : i32
    %dma_wait3A_19 = tpu.memref_slice %arg2[%dma_wait3A, %dma_wait3A_18] : memref<10000x128xf32, #tpu.memory_space<hbm>> -> memref<10000x128xf32, #tpu.memory_space<hbm>>
    tpu.wait_indirect_dma semaphore(%arg13 : memref<!tpu.dma_semaphore, #tpu.memory_space<semaphore_mem>>) src(%dma_wait3A_19 : memref<10000x128xf32, #tpu.memory_space<hbm>>) dst(%arg10 : memref<80x128xf32, #tpu.memory_space<vmem>>)
    %run_scoped3A = arith.constant 124 : i32
    "tpu.region"() ({
      %run_scoped3A_28 = tpu.sem_alloc : memref<!tpu.dma_semaphore, #tpu.memory_space<semaphore_mem>>
      %dma_start3A_29 = arith.constant 0 : i32
      %dma_start3A_30 = tpu.memref_slice %arg9[%run_scoped3A, %dma_start3A_29] : memref<125x80xi32, #tpu.memory_space<vmem>> -> memref<1x80xi32, #tpu.memory_space<vmem>>
      %dma_start3A_31 = tpu.memref_squeeze %dma_start3A_30 : memref<1x80xi32, #tpu.memory_space<vmem>> -> memref<80xi32, #tpu.memory_space<vmem>>
      %dma_start3A_32 = arith.constant 0 : i32
      %dma_start3A_33 = arith.constant 0 : i32
      %dma_start3A_34 = tpu.memref_slice %arg12[%dma_start3A_32, %dma_start3A_33] : memref<10240x128xf32, #tpu.memory_space<vmem_shared>> -> memref<10240x128xf32, #tpu.memory_space<vmem_shared>>
      tpu.enqueue_indirect_dma source(%arg10 : memref<80x128xf32, #tpu.memory_space<vmem>>) target(%dma_start3A_34 : memref<10240x128xf32, #tpu.memory_space<vmem_shared>>) offsets(%dma_start3A_31 : memref<80xi32, #tpu.memory_space<vmem>>) semaphore(%run_scoped3A_28 : memref<!tpu.dma_semaphore, #tpu.memory_space<semaphore_mem>>) {add = true}
      %dma_wait3A_35 = arith.constant 0 : i32
      %dma_wait3A_36 = tpu.memref_slice %arg9[%run_scoped3A, %dma_wait3A_35] : memref<125x80xi32, #tpu.memory_space<vmem>> -> memref<1x80xi32, #tpu.memory_space<vmem>>
      %dma_wait3A_37 = tpu.memref_squeeze %dma_wait3A_36 : memref<1x80xi32, #tpu.memory_space<vmem>> -> memref<80xi32, #tpu.memory_space<vmem>>
      %dma_wait3A_38 = arith.constant 0 : i32
      %dma_wait3A_39 = arith.constant 0 : i32
      %dma_wait3A_40 = tpu.memref_slice %arg12[%dma_wait3A_38, %dma_wait3A_39] : memref<10240x128xf32, #tpu.memory_space<vmem_shared>> -> memref<10240x128xf32, #tpu.memory_space<vmem_shared>>
      tpu.wait_indirect_dma semaphore(%run_scoped3A_28 : memref<!tpu.dma_semaphore, #tpu.memory_space<semaphore_mem>>) src(%arg10 : memref<80x128xf32, #tpu.memory_space<vmem>>) dst(%dma_wait3A_40 : memref<10240x128xf32, #tpu.memory_space<vmem_shared>>)
      tpu.yield
    }) : () -> ()
    %barrier3A_20 = arith.constant 0 : index
    tpu.barrier barrier_id(%barrier3A_20)
    %scan3A_21 = arith.constant 0 : i32
    %scan3A_22 = arith.constant 0 : i32
    %scan3A_23 = arith.constant 8 : i32
    %scan3A_24 = arith.addi %scan3A_22, %scan3A_23 : i32
    %scan3A_25 = arith.constant 1 : i32
    %scan3A_26 = scf.for %scan3A_28 = %scan3A_22 to %scan3A_24 step %scan3A_25 iter_args(%scan3A_29 = %scan3A_21) -> (i32)  : i32 {
      %mul3A_30 = arith.constant 640 : i32
      %mul3A_31 = arith.muli %arg1, %mul3A_30 : i32
      %mul3A_32 = arith.constant 80 : i32
      %mul3A_33 = arith.muli %scan3A_28, %mul3A_32 : i32
      %add3A_34 = arith.addi %mul3A_31, %mul3A_33 : i32
      "tpu.region"() ({
        %run_scoped3A_44 = tpu.sem_alloc : memref<!tpu.dma_semaphore, #tpu.memory_space<semaphore_mem>>
        %dma_start3A_45 = arith.constant 0 : i32
        %dma_start3A_46 = tpu.memref_slice %arg12[%add3A_34, %dma_start3A_45] : memref<10240x128xf32, #tpu.memory_space<vmem_shared>> -> memref<80x128xf32, #tpu.memory_space<vmem_shared>>
        %dma_start3A_47 = arith.constant 0 : i32
        %dma_start3A_48 = tpu.memref_slice %arg12[%add3A_34, %dma_start3A_47] : memref<10240x128xf32, #tpu.memory_space<vmem_shared>> -> memref<80x128xf32, #tpu.memory_space<vmem_shared>>
        tpu.enqueue_dma source(%dma_start3A_48 : memref<80x128xf32, #tpu.memory_space<vmem_shared>>) target(%arg10 : memref<80x128xf32, #tpu.memory_space<vmem>>) target_semaphore(%run_scoped3A_44 : memref<!tpu.dma_semaphore, #tpu.memory_space<semaphore_mem>>)
        %dma_wait3A_49 = arith.constant 0 : i32
        %dma_wait3A_50 = tpu.memref_slice %arg12[%add3A_34, %dma_wait3A_49] : memref<10240x128xf32, #tpu.memory_space<vmem_shared>> -> memref<80x128xf32, #tpu.memory_space<vmem_shared>>
        %dma_wait3A_51 = arith.constant 0 : i32
        %dma_wait3A_52 = tpu.memref_slice %arg12[%add3A_34, %dma_wait3A_51] : memref<10240x128xf32, #tpu.memory_space<vmem_shared>> -> memref<80x128xf32, #tpu.memory_space<vmem_shared>>
        tpu.wait_dma2 semaphore(%run_scoped3A_44 : memref<!tpu.dma_semaphore, #tpu.memory_space<semaphore_mem>>) src(%dma_wait3A_52 : memref<80x128xf32, #tpu.memory_space<vmem_shared>>) dst(%arg10 : memref<80x128xf32, #tpu.memory_space<vmem>>)
        tpu.yield
      }) : () -> ()
      %mul3A_35 = arith.constant 10240 : i32
      %mul3A_36 = arith.muli %arg0, %mul3A_35 : i32
      %mul3A_37 = arith.constant 640 : i32
      %mul3A_38 = arith.muli %arg1, %mul3A_37 : i32
      %add3A_39 = arith.addi %mul3A_36, %mul3A_38 : i32
      %mul3A_40 = arith.constant 80 : i32
      %mul3A_41 = arith.muli %scan3A_28, %mul3A_40 : i32
      %add3A_42 = arith.addi %add3A_39, %mul3A_41 : i32
      "tpu.region"() ({
        %run_scoped3A_44 = tpu.sem_alloc : memref<!tpu.dma_semaphore, #tpu.memory_space<semaphore_mem>>
        %dma_start3A_45 = arith.constant 0 : i32
        %dma_start3A_46 = tpu.memref_slice %arg6[%add3A_42, %dma_start3A_45] : memref<20480x128xf32, #tpu.memory_space<hbm>> -> memref<80x128xf32, #tpu.memory_space<hbm>>
        %dma_start3A_47 = arith.constant 0 : i32
        %dma_start3A_48 = tpu.memref_slice %arg6[%add3A_42, %dma_start3A_47] : memref<20480x128xf32, #tpu.memory_space<hbm>> -> memref<80x128xf32, #tpu.memory_space<hbm>>
        tpu.enqueue_dma source(%arg10 : memref<80x128xf32, #tpu.memory_space<vmem>>) target(%dma_start3A_48 : memref<80x128xf32, #tpu.memory_space<hbm>>) target_semaphore(%run_scoped3A_44 : memref<!tpu.dma_semaphore, #tpu.memory_space<semaphore_mem>>)
        %dma_wait3A_49 = arith.constant 0 : i32
        %dma_wait3A_50 = tpu.memref_slice %arg6[%add3A_42, %dma_wait3A_49] : memref<20480x128xf32, #tpu.memory_space<hbm>> -> memref<80x128xf32, #tpu.memory_space<hbm>>
        %dma_wait3A_51 = arith.constant 0 : i32
        %dma_wait3A_52 = tpu.memref_slice %arg6[%add3A_42, %dma_wait3A_51] : memref<20480x128xf32, #tpu.memory_space<hbm>> -> memref<80x128xf32, #tpu.memory_space<hbm>>
        tpu.wait_dma2 semaphore(%run_scoped3A_44 : memref<!tpu.dma_semaphore, #tpu.memory_space<semaphore_mem>>) src(%arg10 : memref<80x128xf32, #tpu.memory_space<vmem>>) dst(%dma_wait3A_52 : memref<80x128xf32, #tpu.memory_space<hbm>>)
        tpu.yield
      }) : () -> ()
      %scan3A_43 = arith.constant 0 : i32
      scf.yield %scan3A_43 : i32
    }
    %scan3A_27 = arith.constant 8 : i32
    return
  }
}

#map = affine_map<(d0, d1) -> (0, 0, 0)>
#map1 = affine_map<(d0, d1) -> (0, 0)>
module attributes {stable_mosaic.version = 14 : i64} {
  func.func @_deg_sc(%arg0: i32, %arg1: i32, %arg2: memref<32x125x80xi32, #tpu.memory_space<hbm>>, %arg3: memref<80x128xf32, #tpu.memory_space<hbm>>, %arg4: memref<80x128xf32, #tpu.memory_space<hbm>>, %arg5: memref<20480x128xf32, #tpu.memory_space<hbm>>, %arg6: memref<125x80xi32, #tpu.memory_space<vmem>>, %arg7: memref<80x128xf32, #tpu.memory_space<vmem>>, %arg8: memref<10240x128xf32, #tpu.memory_space<vmem_shared>>, %arg9: memref<!tpu.dma_semaphore, #tpu.memory_space<semaphore_mem>>) attributes {dimension_semantics = [#tpu.dimension_semantics<core_parallel>, #tpu.dimension_semantics<subcore_parallel>], iteration_bounds = array<i64: 2, 16>, scalar_prefetch = 0 : i64, scratch_operands = 4 : i64, tpu.core_type = #tpu.core_type<sc_vector_subcore>, window_params = [{transform_indices = #map}, {transform_indices = #map1}, {transform_indices = #map1}, {transform_indices = #map1}]} {
    %mul3A = arith.constant 2 : i32
    %mul3A_0 = arith.muli %arg1, %mul3A : i32
    %add3A = arith.addi %mul3A_0, %arg0 : i32
    "tpu.region"() ({
      %run_scoped3A = tpu.sem_alloc : memref<!tpu.dma_semaphore, #tpu.memory_space<semaphore_mem>>
      tpu.enqueue_dma source(%arg3 : memref<80x128xf32, #tpu.memory_space<hbm>>) target(%arg7 : memref<80x128xf32, #tpu.memory_space<vmem>>) target_semaphore(%run_scoped3A : memref<!tpu.dma_semaphore, #tpu.memory_space<semaphore_mem>>)
      tpu.wait_dma2 semaphore(%run_scoped3A : memref<!tpu.dma_semaphore, #tpu.memory_space<semaphore_mem>>) src(%arg3 : memref<80x128xf32, #tpu.memory_space<hbm>>) dst(%arg7 : memref<80x128xf32, #tpu.memory_space<vmem>>)
      tpu.yield
    }) : () -> ()
    "tpu.region"() ({
      %run_scoped3A = tpu.sem_alloc : memref<!tpu.dma_semaphore, #tpu.memory_space<semaphore_mem>>
      %dma_start3A = arith.constant 0 : i32
      %dma_start3A_29 = arith.constant 0 : i32
      %dma_start3A_30 = tpu.memref_slice %arg2[%add3A, %dma_start3A, %dma_start3A_29] : memref<32x125x80xi32, #tpu.memory_space<hbm>> -> memref<1x125x80xi32, #tpu.memory_space<hbm>>
      %dma_start3A_31 = tpu.memref_squeeze %dma_start3A_30 : memref<1x125x80xi32, #tpu.memory_space<hbm>> -> memref<125x80xi32, #tpu.memory_space<hbm>>
      %dma_start3A_32 = arith.constant 0 : i32
      %dma_start3A_33 = arith.constant 0 : i32
      %dma_start3A_34 = tpu.memref_slice %arg2[%add3A, %dma_start3A_32, %dma_start3A_33] : memref<32x125x80xi32, #tpu.memory_space<hbm>> -> memref<1x125x80xi32, #tpu.memory_space<hbm>>
      %dma_start3A_35 = tpu.memref_squeeze %dma_start3A_34 : memref<1x125x80xi32, #tpu.memory_space<hbm>> -> memref<125x80xi32, #tpu.memory_space<hbm>>
      tpu.enqueue_dma source(%dma_start3A_35 : memref<125x80xi32, #tpu.memory_space<hbm>>) target(%arg6 : memref<125x80xi32, #tpu.memory_space<vmem>>) target_semaphore(%run_scoped3A : memref<!tpu.dma_semaphore, #tpu.memory_space<semaphore_mem>>)
      %dma_wait3A = arith.constant 0 : i32
      %dma_wait3A_36 = arith.constant 0 : i32
      %dma_wait3A_37 = tpu.memref_slice %arg2[%add3A, %dma_wait3A, %dma_wait3A_36] : memref<32x125x80xi32, #tpu.memory_space<hbm>> -> memref<1x125x80xi32, #tpu.memory_space<hbm>>
      %dma_wait3A_38 = tpu.memref_squeeze %dma_wait3A_37 : memref<1x125x80xi32, #tpu.memory_space<hbm>> -> memref<125x80xi32, #tpu.memory_space<hbm>>
      %dma_wait3A_39 = arith.constant 0 : i32
      %dma_wait3A_40 = arith.constant 0 : i32
      %dma_wait3A_41 = tpu.memref_slice %arg2[%add3A, %dma_wait3A_39, %dma_wait3A_40] : memref<32x125x80xi32, #tpu.memory_space<hbm>> -> memref<1x125x80xi32, #tpu.memory_space<hbm>>
      %dma_wait3A_42 = tpu.memref_squeeze %dma_wait3A_41 : memref<1x125x80xi32, #tpu.memory_space<hbm>> -> memref<125x80xi32, #tpu.memory_space<hbm>>
      tpu.wait_dma2 semaphore(%run_scoped3A : memref<!tpu.dma_semaphore, #tpu.memory_space<semaphore_mem>>) src(%dma_wait3A_42 : memref<125x80xi32, #tpu.memory_space<hbm>>) dst(%arg6 : memref<125x80xi32, #tpu.memory_space<vmem>>)
      tpu.yield
    }) : () -> ()
    %scan3A = arith.constant 0 : i32
    %scan3A_1 = arith.constant 0 : i32
    %scan3A_2 = arith.constant 8 : i32
    %scan3A_3 = arith.addi %scan3A_1, %scan3A_2 : i32
    %scan3A_4 = arith.constant 1 : i32
    %scan3A_5 = scf.for %scan3A_29 = %scan3A_1 to %scan3A_3 step %scan3A_4 iter_args(%scan3A_30 = %scan3A) -> (i32)  : i32 {
      %mul3A_31 = arith.constant 640 : i32
      %mul3A_32 = arith.muli %arg1, %mul3A_31 : i32
      %mul3A_33 = arith.constant 80 : i32
      %mul3A_34 = arith.muli %scan3A_29, %mul3A_33 : i32
      %add3A_35 = arith.addi %mul3A_32, %mul3A_34 : i32
      "tpu.region"() ({
        %run_scoped3A = tpu.sem_alloc : memref<!tpu.dma_semaphore, #tpu.memory_space<semaphore_mem>>
        %dma_start3A = arith.constant 0 : i32
        %dma_start3A_37 = tpu.memref_slice %arg8[%add3A_35, %dma_start3A] : memref<10240x128xf32, #tpu.memory_space<vmem_shared>> -> memref<80x128xf32, #tpu.memory_space<vmem_shared>>
        tpu.enqueue_dma source(%arg4 : memref<80x128xf32, #tpu.memory_space<hbm>>) target(%dma_start3A_37 : memref<80x128xf32, #tpu.memory_space<vmem_shared>>) target_semaphore(%run_scoped3A : memref<!tpu.dma_semaphore, #tpu.memory_space<semaphore_mem>>)
        %dma_wait3A = arith.constant 0 : i32
        %dma_wait3A_38 = tpu.memref_slice %arg8[%add3A_35, %dma_wait3A] : memref<10240x128xf32, #tpu.memory_space<vmem_shared>> -> memref<80x128xf32, #tpu.memory_space<vmem_shared>>
        tpu.wait_dma2 semaphore(%run_scoped3A : memref<!tpu.dma_semaphore, #tpu.memory_space<semaphore_mem>>) src(%arg4 : memref<80x128xf32, #tpu.memory_space<hbm>>) dst(%dma_wait3A_38 : memref<80x128xf32, #tpu.memory_space<vmem_shared>>)
        tpu.yield
      }) : () -> ()
      %scan3A_36 = arith.constant 0 : i32
      scf.yield %scan3A_36 : i32
    }
    %scan3A_6 = arith.constant 8 : i32
    %barrier3A = arith.constant 0 : index
    tpu.barrier barrier_id(%barrier3A)
    %scan3A_7 = arith.constant 0 : i32
    %scan3A_8 = arith.constant 0 : i32
    %scan3A_9 = arith.constant 125 : i32
    %scan3A_10 = arith.addi %scan3A_8, %scan3A_9 : i32
    %scan3A_11 = arith.constant 1 : i32
    %scan3A_12 = scf.for %scan3A_29 = %scan3A_8 to %scan3A_10 step %scan3A_11 iter_args(%scan3A_30 = %scan3A_7) -> (i32)  : i32 {
      %dma_start3A = arith.constant 0 : i32
      %dma_start3A_31 = tpu.memref_slice %arg6[%scan3A_29, %dma_start3A] : memref<125x80xi32, #tpu.memory_space<vmem>> -> memref<1x80xi32, #tpu.memory_space<vmem>>
      %dma_start3A_32 = tpu.memref_squeeze %dma_start3A_31 : memref<1x80xi32, #tpu.memory_space<vmem>> -> memref<80xi32, #tpu.memory_space<vmem>>
      %dma_start3A_33 = arith.constant 0 : i32
      %dma_start3A_34 = arith.constant 0 : i32
      %dma_start3A_35 = tpu.memref_slice %arg8[%dma_start3A_33, %dma_start3A_34] : memref<10240x128xf32, #tpu.memory_space<vmem_shared>> -> memref<10240x128xf32, #tpu.memory_space<vmem_shared>>
      tpu.enqueue_indirect_dma source(%arg7 : memref<80x128xf32, #tpu.memory_space<vmem>>) target(%dma_start3A_35 : memref<10240x128xf32, #tpu.memory_space<vmem_shared>>) offsets(%dma_start3A_32 : memref<80xi32, #tpu.memory_space<vmem>>) semaphore(%arg9 : memref<!tpu.dma_semaphore, #tpu.memory_space<semaphore_mem>>) {add = true}
      %scan3A_36 = arith.constant 0 : i32
      scf.yield %scan3A_36 : i32
    }
    %scan3A_13 = arith.constant 125 : i32
    %scan3A_14 = arith.constant 0 : i32
    %scan3A_15 = arith.constant 0 : i32
    %scan3A_16 = arith.constant 125 : i32
    %scan3A_17 = arith.addi %scan3A_15, %scan3A_16 : i32
    %scan3A_18 = arith.constant 1 : i32
    %scan3A_19 = scf.for %scan3A_29 = %scan3A_15 to %scan3A_17 step %scan3A_18 iter_args(%scan3A_30 = %scan3A_14) -> (i32)  : i32 {
      %dma_wait3A = arith.constant 0 : i32
      %dma_wait3A_31 = tpu.memref_slice %arg6[%scan3A_29, %dma_wait3A] : memref<125x80xi32, #tpu.memory_space<vmem>> -> memref<1x80xi32, #tpu.memory_space<vmem>>
      %dma_wait3A_32 = tpu.memref_squeeze %dma_wait3A_31 : memref<1x80xi32, #tpu.memory_space<vmem>> -> memref<80xi32, #tpu.memory_space<vmem>>
      %dma_wait3A_33 = arith.constant 0 : i32
      %dma_wait3A_34 = arith.constant 0 : i32
      %dma_wait3A_35 = tpu.memref_slice %arg8[%dma_wait3A_33, %dma_wait3A_34] : memref<10240x128xf32, #tpu.memory_space<vmem_shared>> -> memref<10240x128xf32, #tpu.memory_space<vmem_shared>>
      tpu.wait_indirect_dma semaphore(%arg9 : memref<!tpu.dma_semaphore, #tpu.memory_space<semaphore_mem>>) src(%arg7 : memref<80x128xf32, #tpu.memory_space<vmem>>) dst(%dma_wait3A_35 : memref<10240x128xf32, #tpu.memory_space<vmem_shared>>)
      %scan3A_36 = arith.constant 0 : i32
      scf.yield %scan3A_36 : i32
    }
    %scan3A_20 = arith.constant 125 : i32
    %barrier3A_21 = arith.constant 0 : index
    tpu.barrier barrier_id(%barrier3A_21)
    %scan3A_22 = arith.constant 0 : i32
    %scan3A_23 = arith.constant 0 : i32
    %scan3A_24 = arith.constant 8 : i32
    %scan3A_25 = arith.addi %scan3A_23, %scan3A_24 : i32
    %scan3A_26 = arith.constant 1 : i32
    %scan3A_27 = scf.for %scan3A_29 = %scan3A_23 to %scan3A_25 step %scan3A_26 iter_args(%scan3A_30 = %scan3A_22) -> (i32)  : i32 {
      %mul3A_31 = arith.constant 640 : i32
      %mul3A_32 = arith.muli %arg1, %mul3A_31 : i32
      %mul3A_33 = arith.constant 80 : i32
      %mul3A_34 = arith.muli %scan3A_29, %mul3A_33 : i32
      %add3A_35 = arith.addi %mul3A_32, %mul3A_34 : i32
      "tpu.region"() ({
        %run_scoped3A = tpu.sem_alloc : memref<!tpu.dma_semaphore, #tpu.memory_space<semaphore_mem>>
        %dma_start3A = arith.constant 0 : i32
        %dma_start3A_45 = tpu.memref_slice %arg8[%add3A_35, %dma_start3A] : memref<10240x128xf32, #tpu.memory_space<vmem_shared>> -> memref<80x128xf32, #tpu.memory_space<vmem_shared>>
        %dma_start3A_46 = arith.constant 0 : i32
        %dma_start3A_47 = tpu.memref_slice %arg8[%add3A_35, %dma_start3A_46] : memref<10240x128xf32, #tpu.memory_space<vmem_shared>> -> memref<80x128xf32, #tpu.memory_space<vmem_shared>>
        tpu.enqueue_dma source(%dma_start3A_47 : memref<80x128xf32, #tpu.memory_space<vmem_shared>>) target(%arg7 : memref<80x128xf32, #tpu.memory_space<vmem>>) target_semaphore(%run_scoped3A : memref<!tpu.dma_semaphore, #tpu.memory_space<semaphore_mem>>)
        %dma_wait3A = arith.constant 0 : i32
        %dma_wait3A_48 = tpu.memref_slice %arg8[%add3A_35, %dma_wait3A] : memref<10240x128xf32, #tpu.memory_space<vmem_shared>> -> memref<80x128xf32, #tpu.memory_space<vmem_shared>>
        %dma_wait3A_49 = arith.constant 0 : i32
        %dma_wait3A_50 = tpu.memref_slice %arg8[%add3A_35, %dma_wait3A_49] : memref<10240x128xf32, #tpu.memory_space<vmem_shared>> -> memref<80x128xf32, #tpu.memory_space<vmem_shared>>
        tpu.wait_dma2 semaphore(%run_scoped3A : memref<!tpu.dma_semaphore, #tpu.memory_space<semaphore_mem>>) src(%dma_wait3A_50 : memref<80x128xf32, #tpu.memory_space<vmem_shared>>) dst(%arg7 : memref<80x128xf32, #tpu.memory_space<vmem>>)
        tpu.yield
      }) : () -> ()
      %mul3A_36 = arith.constant 10240 : i32
      %mul3A_37 = arith.muli %arg0, %mul3A_36 : i32
      %mul3A_38 = arith.constant 640 : i32
      %mul3A_39 = arith.muli %arg1, %mul3A_38 : i32
      %add3A_40 = arith.addi %mul3A_37, %mul3A_39 : i32
      %mul3A_41 = arith.constant 80 : i32
      %mul3A_42 = arith.muli %scan3A_29, %mul3A_41 : i32
      %add3A_43 = arith.addi %add3A_40, %mul3A_42 : i32
      "tpu.region"() ({
        %run_scoped3A = tpu.sem_alloc : memref<!tpu.dma_semaphore, #tpu.memory_space<semaphore_mem>>
        %dma_start3A = arith.constant 0 : i32
        %dma_start3A_45 = tpu.memref_slice %arg5[%add3A_43, %dma_start3A] : memref<20480x128xf32, #tpu.memory_space<hbm>> -> memref<80x128xf32, #tpu.memory_space<hbm>>
        %dma_start3A_46 = arith.constant 0 : i32
        %dma_start3A_47 = tpu.memref_slice %arg5[%add3A_43, %dma_start3A_46] : memref<20480x128xf32, #tpu.memory_space<hbm>> -> memref<80x128xf32, #tpu.memory_space<hbm>>
        tpu.enqueue_dma source(%arg7 : memref<80x128xf32, #tpu.memory_space<vmem>>) target(%dma_start3A_47 : memref<80x128xf32, #tpu.memory_space<hbm>>) target_semaphore(%run_scoped3A : memref<!tpu.dma_semaphore, #tpu.memory_space<semaphore_mem>>)
        %dma_wait3A = arith.constant 0 : i32
        %dma_wait3A_48 = tpu.memref_slice %arg5[%add3A_43, %dma_wait3A] : memref<20480x128xf32, #tpu.memory_space<hbm>> -> memref<80x128xf32, #tpu.memory_space<hbm>>
        %dma_wait3A_49 = arith.constant 0 : i32
        %dma_wait3A_50 = tpu.memref_slice %arg5[%add3A_43, %dma_wait3A_49] : memref<20480x128xf32, #tpu.memory_space<hbm>> -> memref<80x128xf32, #tpu.memory_space<hbm>>
        tpu.wait_dma2 semaphore(%run_scoped3A : memref<!tpu.dma_semaphore, #tpu.memory_space<semaphore_mem>>) src(%arg7 : memref<80x128xf32, #tpu.memory_space<vmem>>) dst(%dma_wait3A_50 : memref<80x128xf32, #tpu.memory_space<hbm>>)
        tpu.yield
      }) : () -> ()
      %scan3A_44 = arith.constant 0 : i32
      scf.yield %scan3A_44 : i32
    }
    %scan3A_28 = arith.constant 8 : i32
    return
  }
}

module attributes {stable_mosaic.version = 14 : i64} {
  func.func @_mat1_body(%arg0: i32, %arg1: memref<2x400x128xf32, #tpu.memory_space<vmem>>, %arg2: memref<400x128xf32, #tpu.memory_space<vmem>>, %arg3: memref<128x128xf32, #tpu.memory_space<vmem>>, %arg4: memref<400x128xf32, #tpu.memory_space<vmem>>, %arg5: memref<400x1xf32, #tpu.memory_space<vmem>>) attributes {dimension_semantics = [#tpu.dimension_semantics<arbitrary>], iteration_bounds = array<i64: 25>, scalar_prefetch = 0 : i64, scratch_operands = 0 : i64, tpu.core_type = #tpu.core_type<tc>, window_params = [{transform_indices = @transform_0, window_bounds = array<i64: 2, 400, 128>}, {transform_indices = @transform_1, window_bounds = array<i64: 400, 128>}, {pipeline_mode = #tpu.pipeline_mode<synchronous>, transform_indices = @transform_2, window_bounds = array<i64: 128, 128>}, {transform_indices = @transform_3, window_bounds = array<i64: 400, 128>}, {transform_indices = @transform_4, window_bounds = array<i64: 400, 1>}]} {
    %get3A = arith.constant 0 : index
    %get3A_0 = arith.constant 0 : index
    %get3A_1 = arith.constant 0 : index
    %get3A_2 = vector.load %arg1[%get3A, %get3A_0, %get3A_1] : memref<2x400x128xf32, #tpu.memory_space<vmem>>, vector<1x400x1xf32>
    %get3A_3 = vector.shape_cast %get3A_2 : vector<1x400x1xf32> to vector<400x1xf32>
    %get3A_4 = arith.constant 1 : index
    %get3A_5 = arith.constant 0 : index
    %get3A_6 = arith.constant 0 : index
    %get3A_7 = vector.load %arg1[%get3A_4, %get3A_5, %get3A_6] : memref<2x400x128xf32, #tpu.memory_space<vmem>>, vector<1x400x1xf32>
    %get3A_8 = vector.shape_cast %get3A_7 : vector<1x400x1xf32> to vector<400x1xf32>
    %add3A = arith.addf %get3A_3, %get3A_8 : vector<400x1xf32>
    %add3A_9 = arith.constant 1.000000e+00 : f32
    %add3A_10 = vector.broadcast %add3A_9 : f32 to vector<400x1xf32>
    %add3A_11 = arith.addf %add3A, %add3A_10 : vector<400x1xf32>
    %rsqrt3A = math.rsqrt %add3A_11 : vector<400x1xf32>
    %swap3A = arith.constant 0 : index
    %swap3A_12 = arith.constant 0 : index
    %swap3A_13 = vector.load %arg5[%swap3A, %swap3A_12] : memref<400x1xf32, #tpu.memory_space<vmem>>, vector<400x1xf32>
    tpu.vector_store %arg5[%swap3A, %swap3A_12], %rsqrt3A {strides = array<i32>} : memref<400x1xf32, #tpu.memory_space<vmem>>, vector<400x1xf32>,
    %get3A_14 = arith.constant 0 : index
    %get3A_15 = arith.constant 0 : index
    %get3A_16 = vector.load %arg2[%get3A_14, %get3A_15] : memref<400x128xf32, #tpu.memory_space<vmem>>, vector<400x128xf32>
    %get3A_17 = arith.constant 0 : index
    %get3A_18 = arith.constant 0 : index
    %get3A_19 = vector.load %arg3[%get3A_17, %get3A_18] : memref<128x128xf32, #tpu.memory_space<vmem>>, vector<128x128xf32>
    %dot_general3A = arith.constant dense<0.000000e+00> : vector<400x128xf32>
    %dot_general3A_20 = tpu.matmul %get3A_16, %get3A_19, %dot_general3A {dimension_numbers = #tpu.dot_dimension_numbers<[1], [0], [0], [1], [0, 0, 1, 1], [], []>, transpose_lhs_hint = false} : vector<400x128xf32>, vector<128x128xf32>, vector<400x128xf32> -> vector<400x128xf32>
    %mul3A = vector.broadcast %rsqrt3A : vector<400x1xf32> to vector<400x128xf32>
    %mul3A_21 = arith.mulf %dot_general3A_20, %mul3A : vector<400x128xf32>
    %swap3A_22 = arith.constant 0 : index
    %swap3A_23 = arith.constant 0 : index
    %swap3A_24 = vector.load %arg4[%swap3A_22, %swap3A_23] : memref<400x128xf32, #tpu.memory_space<vmem>>, vector<400x128xf32>
    tpu.vector_store %arg4[%swap3A_22, %swap3A_23], %mul3A_21 {strides = array<i32>} : memref<400x128xf32, #tpu.memory_space<vmem>>, vector<400x128xf32>,
    return
  }
  func.func @transform_0(%arg0: i32) -> (i32, i32, i32) {
    %c0_i32 = arith.constant 0 : i32
    %c0_i32_0 = arith.constant 0 : i32
    %c0_i32_1 = arith.constant 0 : i32
    return %c0_i32, %arg0, %c0_i32_0 : i32, i32, i32
  }
  func.func @transform_1(%arg0: i32) -> (i32, i32) {
    %c0_i32 = arith.constant 0 : i32
    %c0_i32_0 = arith.constant 0 : i32
    return %arg0, %c0_i32 : i32, i32
  }
  func.func @transform_2(%arg0: i32) -> (i32, i32) {
    %c0_i32 = arith.constant 0 : i32
    %c0_i32_0 = arith.constant 0 : i32
    %c0_i32_1 = arith.constant 0 : i32
    return %c0_i32, %c0_i32_0 : i32, i32
  }
  func.func @transform_3(%arg0: i32) -> (i32, i32) {
    %c0_i32 = arith.constant 0 : i32
    %c0_i32_0 = arith.constant 0 : i32
    return %arg0, %c0_i32 : i32, i32
  }
  func.func @transform_4(%arg0: i32) -> (i32, i32) {
    %c0_i32 = arith.constant 0 : i32
    %c0_i32_0 = arith.constant 0 : i32
    return %arg0, %c0_i32 : i32, i32
  }
}

module attributes {stable_mosaic.version = 14 : i64} {
  func.func @_mat2_body(%arg0: i32, %arg1: memref<2x400x128xf32, #tpu.memory_space<vmem>>, %arg2: memref<400x128xf32, #tpu.memory_space<vmem>>, %arg3: memref<400x1xf32, #tpu.memory_space<vmem>>, %arg4: memref<1x128xf32, #tpu.memory_space<vmem>>, %arg5: memref<128x128xf32, #tpu.memory_space<vmem>>, %arg6: memref<400x128xf32, #tpu.memory_space<vmem>>) attributes {dimension_semantics = [#tpu.dimension_semantics<arbitrary>], iteration_bounds = array<i64: 25>, scalar_prefetch = 0 : i64, scratch_operands = 0 : i64, tpu.core_type = #tpu.core_type<tc>, window_params = [{transform_indices = @transform_0, window_bounds = array<i64: 2, 400, 128>}, {transform_indices = @transform_1, window_bounds = array<i64: 400, 128>}, {transform_indices = @transform_2, window_bounds = array<i64: 400, 1>}, {pipeline_mode = #tpu.pipeline_mode<synchronous>, transform_indices = @transform_3, window_bounds = array<i64: 1, 128>}, {pipeline_mode = #tpu.pipeline_mode<synchronous>, transform_indices = @transform_4, window_bounds = array<i64: 128, 128>}, {transform_indices = @transform_5, window_bounds = array<i64: 400, 128>}]} {
    %get3A = arith.constant 0 : index
    %get3A_0 = arith.constant 0 : index
    %get3A_1 = vector.load %arg3[%get3A, %get3A_0] : memref<400x1xf32, #tpu.memory_space<vmem>>, vector<400x1xf32>
    %get3A_2 = arith.constant 0 : index
    %get3A_3 = arith.constant 0 : index
    %get3A_4 = arith.constant 0 : index
    %get3A_5 = vector.load %arg1[%get3A_2, %get3A_3, %get3A_4] : memref<2x400x128xf32, #tpu.memory_space<vmem>>, vector<1x400x128xf32>
    %get3A_6 = vector.shape_cast %get3A_5 : vector<1x400x128xf32> to vector<400x128xf32>
    %get3A_7 = arith.constant 1 : index
    %get3A_8 = arith.constant 0 : index
    %get3A_9 = arith.constant 0 : index
    %get3A_10 = vector.load %arg1[%get3A_7, %get3A_8, %get3A_9] : memref<2x400x128xf32, #tpu.memory_space<vmem>>, vector<1x400x128xf32>
    %get3A_11 = vector.shape_cast %get3A_10 : vector<1x400x128xf32> to vector<400x128xf32>
    %add3A = arith.addf %get3A_6, %get3A_11 : vector<400x128xf32>
    %get3A_12 = arith.constant 0 : index
    %get3A_13 = arith.constant 0 : index
    %get3A_14 = vector.load %arg2[%get3A_12, %get3A_13] : memref<400x128xf32, #tpu.memory_space<vmem>>, vector<400x128xf32>
    %add3A_15 = arith.addf %add3A, %get3A_14 : vector<400x128xf32>
    %mul3A = vector.broadcast %get3A_1 : vector<400x1xf32> to vector<400x128xf32>
    %mul3A_16 = arith.mulf %mul3A, %add3A_15 : vector<400x128xf32>
    %get3A_17 = arith.constant 0 : index
    %get3A_18 = arith.constant 0 : index
    %get3A_19 = vector.load %arg4[%get3A_17, %get3A_18] : memref<1x128xf32, #tpu.memory_space<vmem>>, vector<1x128xf32>
    %add3A_20 = vector.broadcast %get3A_19 : vector<1x128xf32> to vector<400x128xf32>
    %add3A_21 = arith.addf %mul3A_16, %add3A_20 : vector<400x128xf32>
    %max3A = arith.constant 0.000000e+00 : f32
    %max3A_22 = vector.broadcast %max3A : f32 to vector<400x128xf32>
    %max3A_23 = arith.maximumf %add3A_21, %max3A_22 : vector<400x128xf32>
    %get3A_24 = arith.constant 0 : index
    %get3A_25 = arith.constant 0 : index
    %get3A_26 = vector.load %arg5[%get3A_24, %get3A_25] : memref<128x128xf32, #tpu.memory_space<vmem>>, vector<128x128xf32>
    %dot_general3A = arith.constant dense<0.000000e+00> : vector<400x128xf32>
    %dot_general3A_27 = tpu.matmul %max3A_23, %get3A_26, %dot_general3A {dimension_numbers = #tpu.dot_dimension_numbers<[1], [0], [0], [1], [0, 0, 1, 1], [], []>, transpose_lhs_hint = false} : vector<400x128xf32>, vector<128x128xf32>, vector<400x128xf32> -> vector<400x128xf32>
    %mul3A_28 = vector.broadcast %get3A_1 : vector<400x1xf32> to vector<400x128xf32>
    %mul3A_29 = arith.mulf %dot_general3A_27, %mul3A_28 : vector<400x128xf32>
    %swap3A = arith.constant 0 : index
    %swap3A_30 = arith.constant 0 : index
    %swap3A_31 = vector.load %arg6[%swap3A, %swap3A_30] : memref<400x128xf32, #tpu.memory_space<vmem>>, vector<400x128xf32>
    tpu.vector_store %arg6[%swap3A, %swap3A_30], %mul3A_29 {strides = array<i32>} : memref<400x128xf32, #tpu.memory_space<vmem>>, vector<400x128xf32>,
    return
  }
  func.func @transform_0(%arg0: i32) -> (i32, i32, i32) {
    %c0_i32 = arith.constant 0 : i32
    %c0_i32_0 = arith.constant 0 : i32
    %c0_i32_1 = arith.constant 0 : i32
    return %c0_i32, %arg0, %c0_i32_0 : i32, i32, i32
  }
  func.func @transform_1(%arg0: i32) -> (i32, i32) {
    %c0_i32 = arith.constant 0 : i32
    %c0_i32_0 = arith.constant 0 : i32
    return %arg0, %c0_i32 : i32, i32
  }
  func.func @transform_2(%arg0: i32) -> (i32, i32) {
    %c0_i32 = arith.constant 0 : i32
    %c0_i32_0 = arith.constant 0 : i32
    return %arg0, %c0_i32 : i32, i32
  }
  func.func @transform_3(%arg0: i32) -> (i32, i32) {
    %c0_i32 = arith.constant 0 : i32
    %c0_i32_0 = arith.constant 0 : i32
    %c0_i32_1 = arith.constant 0 : i32
    return %c0_i32, %c0_i32_0 : i32, i32
  }
  func.func @transform_4(%arg0: i32) -> (i32, i32) {
    %c0_i32 = arith.constant 0 : i32
    %c0_i32_0 = arith.constant 0 : i32
    %c0_i32_1 = arith.constant 0 : i32
    return %c0_i32, %c0_i32_0 : i32, i32
  }
  func.func @transform_5(%arg0: i32) -> (i32, i32) {
    %c0_i32 = arith.constant 0 : i32
    %c0_i32_0 = arith.constant 0 : i32
    return %arg0, %c0_i32 : i32, i32
  }
}

module attributes {stable_mosaic.version = 14 : i64} {
  func.func @_final_body(%arg0: i32, %arg1: memref<2x400x128xf32, #tpu.memory_space<vmem>>, %arg2: memref<400x128xf32, #tpu.memory_space<vmem>>, %arg3: memref<400x1xf32, #tpu.memory_space<vmem>>, %arg4: memref<1x128xf32, #tpu.memory_space<vmem>>, %arg5: memref<1x1x400xi32, #tpu.memory_space<vmem>>, %arg6: memref<128x128xf32, #tpu.memory_space<vmem>>, %arg7: memref<1x128xf32, #tpu.memory_space<vmem>>, %arg8: memref<128x128xf32, #tpu.memory_space<vmem>>, %arg9: memref<1x128xf32, #tpu.memory_space<vmem>>, %arg10: memref<128x1xf32, #tpu.memory_space<vmem>>, %arg11: memref<1x1xf32, #tpu.memory_space<vmem>>, %arg12: memref<128x2xf32, #tpu.memory_space<vmem>>, %arg13: memref<1x2xf32, #tpu.memory_space<vmem>>, %arg14: memref<1x2xf32, #tpu.memory_space<vmem>>, %arg15: memref<100x1xf32, #tpu.memory_space<vmem>>, %arg16: memref<100x128xf32, #tpu.memory_space<vmem>>, %arg17: memref<128x128xf32, #tpu.memory_space<vmem>>, %arg18: memref<128x1xf32, #tpu.memory_space<vmem>>) attributes {dimension_semantics = [#tpu.dimension_semantics<arbitrary>], iteration_bounds = array<i64: 25>, scalar_prefetch = 0 : i64, scratch_operands = 2 : i64, tpu.core_type = #tpu.core_type<tc>, window_params = [{transform_indices = @transform_0, window_bounds = array<i64: 2, 400, 128>}, {transform_indices = @transform_1, window_bounds = array<i64: 400, 128>}, {transform_indices = @transform_2, window_bounds = array<i64: 400, 1>}, {pipeline_mode = #tpu.pipeline_mode<synchronous>, transform_indices = @transform_3, window_bounds = array<i64: 1, 128>}, {transform_indices = @transform_4, window_bounds = array<i64: 1, 1, 400>}, {pipeline_mode = #tpu.pipeline_mode<synchronous>, transform_indices = @transform_5, window_bounds = array<i64: 128, 128>}, {pipeline_mode = #tpu.pipeline_mode<synchronous>, transform_indices = @transform_6, window_bounds = array<i64: 1, 128>}, {pipeline_mode = #tpu.pipeline_mode<synchronous>, transform_indices = @transform_7, window_bounds = array<i64: 128, 128>}, {pipeline_mode = #tpu.pipeline_mode<synchronous>, transform_indices = @transform_8, window_bounds = array<i64: 1, 128>}, {pipeline_mode = #tpu.pipeline_mode<synchronous>, transform_indices = @transform_9, window_bounds = array<i64: 128, 1>}, {pipeline_mode = #tpu.pipeline_mode<synchronous>, transform_indices = @transform_10, window_bounds = array<i64: 1, 1>}, {pipeline_mode = #tpu.pipeline_mode<synchronous>, transform_indices = @transform_11, window_bounds = array<i64: 128, 2>}, {pipeline_mode = #tpu.pipeline_mode<synchronous>, transform_indices = @transform_12, window_bounds = array<i64: 1, 2>}, {pipeline_mode = #tpu.pipeline_mode<synchronous>, transform_indices = @transform_13, window_bounds = array<i64: 1, 2>}, {pipeline_mode = #tpu.pipeline_mode<synchronous>, transform_indices = @transform_14, window_bounds = array<i64: 100, 1>}, {pipeline_mode = #tpu.pipeline_mode<synchronous>, transform_indices = @transform_15, window_bounds = array<i64: 100, 128>}]} {
    %eq3A = arith.constant 0 : i32
    %eq3A_0 = arith.cmpi eq, %arg0, %eq3A : i32
    %convert_element_type3A = arith.extui %eq3A_0 : i1 to i32
    %cond3A = arith.constant 0 : i32
    %cond3A_1 = arith.cmpi ne, %convert_element_type3A, %cond3A : i32
    scf.if %cond3A_1 {
      %broadcast_in_dim3A_55 = arith.constant 0.000000e+00 : f32
      %broadcast_in_dim3A_56 = vector.broadcast %broadcast_in_dim3A_55 : f32 to vector<128x128xf32>
      %swap3A_57 = arith.constant 0 : index
      %swap3A_58 = arith.constant 0 : index
      %swap3A_59 = vector.load %arg17[%swap3A_57, %swap3A_58] : memref<128x128xf32, #tpu.memory_space<vmem>>, vector<128x128xf32>
      tpu.vector_store %arg17[%swap3A_57, %swap3A_58], %broadcast_in_dim3A_56 {strides = array<i32>} : memref<128x128xf32, #tpu.memory_space<vmem>>, vector<128x128xf32>,
      %broadcast_in_dim3A_60 = arith.constant 0.000000e+00 : f32
      %broadcast_in_dim3A_61 = vector.broadcast %broadcast_in_dim3A_60 : f32 to vector<128x1xf32>
      %swap3A_62 = arith.constant 0 : index
      %swap3A_63 = arith.constant 0 : index
      %swap3A_64 = vector.load %arg18[%swap3A_62, %swap3A_63] : memref<128x1xf32, #tpu.memory_space<vmem>>, vector<128x1xf32>
      tpu.vector_store %arg18[%swap3A_62, %swap3A_63], %broadcast_in_dim3A_61 {strides = array<i32>} : memref<128x1xf32, #tpu.memory_space<vmem>>, vector<128x1xf32>,
    } else {
    }
    %get3A = arith.constant 0 : index
    %get3A_2 = arith.constant 0 : index
    %get3A_3 = vector.load %arg3[%get3A, %get3A_2] : memref<400x1xf32, #tpu.memory_space<vmem>>, vector<400x1xf32>
    %get3A_4 = arith.constant 0 : index
    %get3A_5 = arith.constant 0 : index
    %get3A_6 = arith.constant 0 : index
    %get3A_7 = vector.load %arg1[%get3A_4, %get3A_5, %get3A_6] : memref<2x400x128xf32, #tpu.memory_space<vmem>>, vector<1x400x128xf32>
    %get3A_8 = vector.shape_cast %get3A_7 : vector<1x400x128xf32> to vector<400x128xf32>
    %get3A_9 = arith.constant 1 : index
    %get3A_10 = arith.constant 0 : index
    %get3A_11 = arith.constant 0 : index
    %get3A_12 = vector.load %arg1[%get3A_9, %get3A_10, %get3A_11] : memref<2x400x128xf32, #tpu.memory_space<vmem>>, vector<1x400x128xf32>
    %get3A_13 = vector.shape_cast %get3A_12 : vector<1x400x128xf32> to vector<400x128xf32>
    %add3A = arith.addf %get3A_8, %get3A_13 : vector<400x128xf32>
    %get3A_14 = arith.constant 0 : index
    %get3A_15 = arith.constant 0 : index
    %get3A_16 = vector.load %arg2[%get3A_14, %get3A_15] : memref<400x128xf32, #tpu.memory_space<vmem>>, vector<400x128xf32>
    %add3A_17 = arith.addf %add3A, %get3A_16 : vector<400x128xf32>
    %mul3A = vector.broadcast %get3A_3 : vector<400x1xf32> to vector<400x128xf32>
    %mul3A_18 = arith.mulf %mul3A, %add3A_17 : vector<400x128xf32>
    %get3A_19 = arith.constant 0 : index
    %get3A_20 = arith.constant 0 : index
    %get3A_21 = vector.load %arg4[%get3A_19, %get3A_20] : memref<1x128xf32, #tpu.memory_space<vmem>>, vector<1x128xf32>
    %add3A_22 = vector.broadcast %get3A_21 : vector<1x128xf32> to vector<400x128xf32>
    %add3A_23 = arith.addf %mul3A_18, %add3A_22 : vector<400x128xf32>
    %max3A = arith.constant 0.000000e+00 : f32
    %max3A_24 = vector.broadcast %max3A : f32 to vector<400x128xf32>
    %max3A_25 = arith.maximumf %add3A_23, %max3A_24 : vector<400x128xf32>
    %get3A_26 = arith.constant 0 : index
    %get3A_27 = arith.constant 0 : index
    %get3A_28 = arith.constant 0 : index
    %get3A_29 = vector.load %arg5[%get3A_26, %get3A_27, %get3A_28] : memref<1x1x400xi32, #tpu.memory_space<vmem>>, vector<1x1x400xi32>
    %get3A_30 = vector.shape_cast %get3A_29 : vector<1x1x400xi32> to vector<1x400xi32>
    %iota3A = tpu.iota {dimensions = array<i32: 0>} : vector<128x400xi32>
    %eq3A_31 = vector.broadcast %get3A_30 : vector<1x400xi32> to vector<128x400xi32>
    %eq3A_32 = arith.cmpi eq, %eq3A_31, %iota3A : vector<128x400xi32>
    %convert_element_type3A_33 = arith.extui %eq3A_32 : vector<128x400xi1> to vector<128x400xi32>
    %convert_element_type3A_34 = arith.sitofp %convert_element_type3A_33 : vector<128x400xi32> to vector<128x400xf32>
    %get3A_35 = arith.constant 0 : index
    %get3A_36 = arith.constant 0 : index
    %get3A_37 = vector.load %arg17[%get3A_35, %get3A_36] : memref<128x128xf32, #tpu.memory_space<vmem>>, vector<128x128xf32>
    %dot_general3A = arith.constant dense<0.000000e+00> : vector<128x128xf32>
    %dot_general3A_38 = tpu.matmul %convert_element_type3A_34, %max3A_25, %dot_general3A {dimension_numbers = #tpu.dot_dimension_numbers<[1], [0], [0], [1], [0, 0, 1, 1], [], []>, transpose_lhs_hint = false} : vector<128x400xf32>, vector<400x128xf32>, vector<128x128xf32> -> vector<128x128xf32>
    %add3A_39 = arith.addf %get3A_37, %dot_general3A_38 : vector<128x128xf32>
    %swap3A = arith.constant 0 : index
    %swap3A_40 = arith.constant 0 : index
    %swap3A_41 = vector.load %arg17[%swap3A, %swap3A_40] : memref<128x128xf32, #tpu.memory_space<vmem>>, vector<128x128xf32>
    tpu.vector_store %arg17[%swap3A, %swap3A_40], %add3A_39 {strides = array<i32>} : memref<128x128xf32, #tpu.memory_space<vmem>>, vector<128x128xf32>,
    %get3A_42 = arith.constant 0 : index
    %get3A_43 = arith.constant 0 : index
    %get3A_44 = vector.load %arg18[%get3A_42, %get3A_43] : memref<128x1xf32, #tpu.memory_space<vmem>>, vector<128x1xf32>
    %reduce_sum3A = arith.constant dense<0.000000e+00> : vector<128xf32>
    %reduce_sum3A_45 = vector.multi_reduction <add>, %convert_element_type3A_34, %reduce_sum3A [1] : vector<128x400xf32> to vector<128xf32>
    %broadcast_in_dim3A = vector.shape_cast %reduce_sum3A_45 : vector<128xf32> to vector<128x1xf32>
    %add3A_46 = arith.addf %get3A_44, %broadcast_in_dim3A : vector<128x1xf32>
    %swap3A_47 = arith.constant 0 : index
    %swap3A_48 = arith.constant 0 : index
    %swap3A_49 = vector.load %arg18[%swap3A_47, %swap3A_48] : memref<128x1xf32, #tpu.memory_space<vmem>>, vector<128x1xf32>
    tpu.vector_store %arg18[%swap3A_47, %swap3A_48], %add3A_46 {strides = array<i32>} : memref<128x1xf32, #tpu.memory_space<vmem>>, vector<128x1xf32>,
    %eq3A_50 = arith.constant 24 : i32
    %eq3A_51 = arith.cmpi eq, %arg0, %eq3A_50 : i32
    %convert_element_type3A_52 = arith.extui %eq3A_51 : i1 to i32
    %cond3A_53 = arith.constant 0 : i32
    %cond3A_54 = arith.cmpi ne, %convert_element_type3A_52, %cond3A_53 : i32
    scf.if %cond3A_54 {
      %get3A_55 = arith.constant 0 : index
      %get3A_56 = arith.constant 0 : index
      %get3A_57 = vector.load %arg17[%get3A_55, %get3A_56] : memref<128x128xf32, #tpu.memory_space<vmem>>, vector<128x128xf32>
      %get3A_58 = arith.constant 0 : index
      %get3A_59 = arith.constant 0 : index
      %get3A_60 = vector.load %arg18[%get3A_58, %get3A_59] : memref<128x1xf32, #tpu.memory_space<vmem>>, vector<128x1xf32>
      %max3A_61 = arith.constant 1.000000e+00 : f32
      %max3A_62 = vector.broadcast %max3A_61 : f32 to vector<128x1xf32>
      %max3A_63 = arith.maximumf %get3A_60, %max3A_62 : vector<128x1xf32>
      %div3A = vector.broadcast %max3A_63 : vector<128x1xf32> to vector<128x128xf32>
      %div3A_64 = arith.divf %get3A_57, %div3A : vector<128x128xf32>
      %get3A_65 = arith.constant 0 : index
      %get3A_66 = arith.constant 0 : index
      %get3A_67 = vector.load %arg6[%get3A_65, %get3A_66] : memref<128x128xf32, #tpu.memory_space<vmem>>, vector<128x128xf32>
      %dot_general3A_68 = arith.constant dense<0.000000e+00> : vector<128x128xf32>
      %dot_general3A_69 = tpu.matmul %div3A_64, %get3A_67, %dot_general3A_68 {dimension_numbers = #tpu.dot_dimension_numbers<[1], [0], [0], [1], [0, 0, 1, 1], [], []>, transpose_lhs_hint = false} : vector<128x128xf32>, vector<128x128xf32>, vector<128x128xf32> -> vector<128x128xf32>
      %get3A_70 = arith.constant 0 : index
      %get3A_71 = arith.constant 0 : index
      %get3A_72 = vector.load %arg7[%get3A_70, %get3A_71] : memref<1x128xf32, #tpu.memory_space<vmem>>, vector<1x128xf32>
      %add3A_73 = vector.broadcast %get3A_72 : vector<1x128xf32> to vector<128x128xf32>
      %add3A_74 = arith.addf %dot_general3A_69, %add3A_73 : vector<128x128xf32>
      %get3A_75 = arith.constant 0 : index
      %get3A_76 = arith.constant 0 : index
      %get3A_77 = vector.load %arg8[%get3A_75, %get3A_76] : memref<128x128xf32, #tpu.memory_space<vmem>>, vector<128x128xf32>
      %dot_general3A_78 = arith.constant dense<0.000000e+00> : vector<128x128xf32>
      %dot_general3A_79 = tpu.matmul %add3A_74, %get3A_77, %dot_general3A_78 {dimension_numbers = #tpu.dot_dimension_numbers<[1], [0], [0], [1], [0, 0, 1, 1], [], []>, transpose_lhs_hint = false} : vector<128x128xf32>, vector<128x128xf32>, vector<128x128xf32> -> vector<128x128xf32>
      %get3A_80 = arith.constant 0 : index
      %get3A_81 = arith.constant 0 : index
      %get3A_82 = vector.load %arg9[%get3A_80, %get3A_81] : memref<1x128xf32, #tpu.memory_space<vmem>>, vector<1x128xf32>
      %add3A_83 = vector.broadcast %get3A_82 : vector<1x128xf32> to vector<128x128xf32>
      %add3A_84 = arith.addf %dot_general3A_79, %add3A_83 : vector<128x128xf32>
      %max3A_85 = arith.constant 0.000000e+00 : f32
      %max3A_86 = vector.broadcast %max3A_85 : f32 to vector<128x128xf32>
      %max3A_87 = arith.maximumf %add3A_84, %max3A_86 : vector<128x128xf32>
      %get3A_88 = arith.constant 0 : index
      %get3A_89 = arith.constant 0 : index
      %get3A_90 = vector.load %arg10[%get3A_88, %get3A_89] : memref<128x1xf32, #tpu.memory_space<vmem>>, vector<128x1xf32>
      %dot_general3A_91 = arith.constant dense<0.000000e+00> : vector<128x1xf32>
      %dot_general3A_92 = tpu.matmul %max3A_87, %get3A_90, %dot_general3A_91 {dimension_numbers = #tpu.dot_dimension_numbers<[1], [0], [0], [1], [0, 0, 1, 1], [], []>, transpose_lhs_hint = false} : vector<128x128xf32>, vector<128x1xf32>, vector<128x1xf32> -> vector<128x1xf32>
      %get3A_93 = arith.constant 0 : index
      %get3A_94 = arith.constant 0 : index
      %get3A_95 = vector.load %arg11[%get3A_93, %get3A_94] : memref<1x1xf32, #tpu.memory_space<vmem>>, vector<1x1xf32>
      %add3A_96 = vector.broadcast %get3A_95 : vector<1x1xf32> to vector<128x1xf32>
      %add3A_97 = arith.addf %dot_general3A_92, %add3A_96 : vector<128x1xf32>
      %iota3A_98 = tpu.iota {dimensions = array<i32: 0>} : vector<128x1xi32>
      %lt3A = arith.constant 100 : i32
      %lt3A_99 = vector.broadcast %lt3A : i32 to vector<128x1xi32>
      %lt3A_100 = arith.cmpi slt, %iota3A_98, %lt3A_99 : vector<128x1xi32>
      %jit3A = arith.constant -1.000000e+30 : f32
      %broadcast_in_dim3A_101 = vector.broadcast %jit3A : f32 to vector<128x1xf32>
      %select_n3A = arith.select %lt3A_100, %add3A_97, %broadcast_in_dim3A_101 : vector<128x1xi1>, vector<128x1xf32>
      %reduce_max3A = arith.constant dense<0xFF800000> : vector<1xf32>
      %reduce_max3A_102 = vector.multi_reduction <maximumf>, %select_n3A, %reduce_max3A [0] : vector<128x1xf32> to vector<1xf32>
      %broadcast_in_dim3A_103 = vector.shape_cast %reduce_max3A_102 : vector<1xf32> to vector<1x1xf32>
      %lt3A_104 = arith.constant 100 : i32
      %lt3A_105 = vector.broadcast %lt3A_104 : i32 to vector<128x1xi32>
      %lt3A_106 = arith.cmpi slt, %iota3A_98, %lt3A_105 : vector<128x1xi32>
      %sub3A = vector.broadcast %broadcast_in_dim3A_103 : vector<1x1xf32> to vector<128x1xf32>
      %sub3A_107 = arith.subf %select_n3A, %sub3A : vector<128x1xf32>
      %exp3A = math.exp %sub3A_107 : vector<128x1xf32>
      %jit3A_108 = arith.constant 0.000000e+00 : f32
      %broadcast_in_dim3A_109 = vector.broadcast %jit3A_108 : f32 to vector<128x1xf32>
      %select_n3A_110 = arith.select %lt3A_106, %exp3A, %broadcast_in_dim3A_109 : vector<128x1xi1>, vector<128x1xf32>
      %reduce_sum3A_111 = arith.constant dense<0.000000e+00> : vector<1xf32>
      %reduce_sum3A_112 = vector.multi_reduction <add>, %select_n3A_110, %reduce_sum3A_111 [0] : vector<128x1xf32> to vector<1xf32>
      %broadcast_in_dim3A_113 = vector.shape_cast %reduce_sum3A_112 : vector<1xf32> to vector<1x1xf32>
      %div3A_114 = vector.broadcast %broadcast_in_dim3A_113 : vector<1x1xf32> to vector<128x1xf32>
      %div3A_115 = arith.divf %select_n3A_110, %div3A_114 : vector<128x1xf32>
      %mul3A_116 = vector.broadcast %div3A_115 : vector<128x1xf32> to vector<128x128xf32>
      %mul3A_117 = arith.mulf %mul3A_116, %max3A_87 : vector<128x128xf32>
      %reduce_sum3A_118 = arith.constant dense<0.000000e+00> : vector<128xf32>
      %reduce_sum3A_119 = vector.multi_reduction <add>, %mul3A_117, %reduce_sum3A_118 [0] : vector<128x128xf32> to vector<128xf32>
      %broadcast_in_dim3A_120 = vector.shape_cast %reduce_sum3A_119 : vector<128xf32> to vector<1x128xf32>
      %get3A_121 = arith.constant 0 : index
      %get3A_122 = arith.constant 0 : index
      %get3A_123 = vector.load %arg12[%get3A_121, %get3A_122] : memref<128x2xf32, #tpu.memory_space<vmem>>, vector<128x2xf32>
      %dot_general3A_124 = arith.constant dense<0.000000e+00> : vector<1x2xf32>
      %dot_general3A_125 = tpu.matmul %broadcast_in_dim3A_120, %get3A_123, %dot_general3A_124 {dimension_numbers = #tpu.dot_dimension_numbers<[1], [0], [0], [1], [0, 0, 1, 1], [], []>, transpose_lhs_hint = false} : vector<1x128xf32>, vector<128x2xf32>, vector<1x2xf32> -> vector<1x2xf32>
      %get3A_126 = arith.constant 0 : index
      %get3A_127 = arith.constant 0 : index
      %get3A_128 = vector.load %arg13[%get3A_126, %get3A_127] : memref<1x2xf32, #tpu.memory_space<vmem>>, vector<1x2xf32>
      %add3A_129 = arith.addf %dot_general3A_125, %get3A_128 : vector<1x2xf32>
      %swap3A_130 = arith.constant 0 : index
      %swap3A_131 = arith.constant 0 : index
      %swap3A_132 = vector.load %arg14[%swap3A_130, %swap3A_131] : memref<1x2xf32, #tpu.memory_space<vmem>>, vector<1x2xf32>
      tpu.vector_store %arg14[%swap3A_130, %swap3A_131], %add3A_129 {strides = array<i32>} : memref<1x2xf32, #tpu.memory_space<vmem>>, vector<1x2xf32>,
      %slice3A = vector.extract_strided_slice %div3A_115 {offsets = [0, 0], sizes = [100, 1], strides = [1, 1]} : vector<128x1xf32> to vector<100x1xf32>
      %swap3A_133 = arith.constant 0 : index
      %swap3A_134 = arith.constant 0 : index
      %swap3A_135 = vector.load %arg15[%swap3A_133, %swap3A_134] : memref<100x1xf32, #tpu.memory_space<vmem>>, vector<100x1xf32>
      tpu.vector_store %arg15[%swap3A_133, %swap3A_134], %slice3A {strides = array<i32>} : memref<100x1xf32, #tpu.memory_space<vmem>>, vector<100x1xf32>,
      %slice3A_136 = vector.extract_strided_slice %add3A_74 {offsets = [0, 0], sizes = [100, 128], strides = [1, 1]} : vector<128x128xf32> to vector<100x128xf32>
      %swap3A_137 = arith.constant 0 : index
      %swap3A_138 = arith.constant 0 : index
      %swap3A_139 = vector.load %arg16[%swap3A_137, %swap3A_138] : memref<100x128xf32, #tpu.memory_space<vmem>>, vector<100x128xf32>
      tpu.vector_store %arg16[%swap3A_137, %swap3A_138], %slice3A_136 {strides = array<i32>} : memref<100x128xf32, #tpu.memory_space<vmem>>, vector<100x128xf32>,
    } else {
    }
    return
  }
  func.func @transform_0(%arg0: i32) -> (i32, i32, i32) {
    %c0_i32 = arith.constant 0 : i32
    %c0_i32_0 = arith.constant 0 : i32
    %c0_i32_1 = arith.constant 0 : i32
    return %c0_i32, %arg0, %c0_i32_0 : i32, i32, i32
  }
  func.func @transform_1(%arg0: i32) -> (i32, i32) {
    %c0_i32 = arith.constant 0 : i32
    %c0_i32_0 = arith.constant 0 : i32
    return %arg0, %c0_i32 : i32, i32
  }
  func.func @transform_2(%arg0: i32) -> (i32, i32) {
    %c0_i32 = arith.constant 0 : i32
    %c0_i32_0 = arith.constant 0 : i32
    return %arg0, %c0_i32 : i32, i32
  }
  func.func @transform_3(%arg0: i32) -> (i32, i32) {
    %c0_i32 = arith.constant 0 : i32
    %c0_i32_0 = arith.constant 0 : i32
    %c0_i32_1 = arith.constant 0 : i32
    return %c0_i32, %c0_i32_0 : i32, i32
  }
  func.func @transform_4(%arg0: i32) -> (i32, i32, i32) {
    %c0_i32 = arith.constant 0 : i32
    %c0_i32_0 = arith.constant 0 : i32
    %c0_i32_1 = arith.constant 0 : i32
    return %arg0, %c0_i32, %c0_i32_0 : i32, i32, i32
  }
  func.func @transform_5(%arg0: i32) -> (i32, i32) {
    %c0_i32 = arith.constant 0 : i32
    %c0_i32_0 = arith.constant 0 : i32
    %c0_i32_1 = arith.constant 0 : i32
    return %c0_i32, %c0_i32_0 : i32, i32
  }
  func.func @transform_6(%arg0: i32) -> (i32, i32) {
    %c0_i32 = arith.constant 0 : i32
    %c0_i32_0 = arith.constant 0 : i32
    %c0_i32_1 = arith.constant 0 : i32
    return %c0_i32, %c0_i32_0 : i32, i32
  }
  func.func @transform_7(%arg0: i32) -> (i32, i32) {
    %c0_i32 = arith.constant 0 : i32
    %c0_i32_0 = arith.constant 0 : i32
    %c0_i32_1 = arith.constant 0 : i32
    return %c0_i32, %c0_i32_0 : i32, i32
  }
  func.func @transform_8(%arg0: i32) -> (i32, i32) {
    %c0_i32 = arith.constant 0 : i32
    %c0_i32_0 = arith.constant 0 : i32
    %c0_i32_1 = arith.constant 0 : i32
    return %c0_i32, %c0_i32_0 : i32, i32
  }
  func.func @transform_9(%arg0: i32) -> (i32, i32) {
    %c0_i32 = arith.constant 0 : i32
    %c0_i32_0 = arith.constant 0 : i32
    %c0_i32_1 = arith.constant 0 : i32
    return %c0_i32, %c0_i32_0 : i32, i32
  }
  func.func @transform_10(%arg0: i32) -> (i32, i32) {
    %c0_i32 = arith.constant 0 : i32
    %c0_i32_0 = arith.constant 0 : i32
    %c0_i32_1 = arith.constant 0 : i32
    return %c0_i32, %c0_i32_0 : i32, i32
  }
  func.func @transform_11(%arg0: i32) -> (i32, i32) {
    %c0_i32 = arith.constant 0 : i32
    %c0_i32_0 = arith.constant 0 : i32
    %c0_i32_1 = arith.constant 0 : i32
    return %c0_i32, %c0_i32_0 : i32, i32
  }
  func.func @transform_12(%arg0: i32) -> (i32, i32) {
    %c0_i32 = arith.constant 0 : i32
    %c0_i32_0 = arith.constant 0 : i32
    %c0_i32_1 = arith.constant 0 : i32
    return %c0_i32, %c0_i32_0 : i32, i32
  }
  func.func @transform_13(%arg0: i32) -> (i32, i32) {
    %c0_i32 = arith.constant 0 : i32
    %c0_i32_0 = arith.constant 0 : i32
    %c0_i32_1 = arith.constant 0 : i32
    return %c0_i32, %c0_i32_0 : i32, i32
  }
  func.func @transform_14(%arg0: i32) -> (i32, i32) {
    %c0_i32 = arith.constant 0 : i32
    %c0_i32_0 = arith.constant 0 : i32
    %c0_i32_1 = arith.constant 0 : i32
    return %c0_i32, %c0_i32_0 : i32, i32
  }
  func.func @transform_15(%arg0: i32) -> (i32, i32) {
    %c0_i32 = arith.constant 0 : i32
    %c0_i32_0 = arith.constant 0 : i32
    %c0_i32_1 = arith.constant 0 : i32
    return %c0_i32, %c0_i32_0 : i32, i32
  }
}

</mosaic_0001>

<sc_bundles>
// kernel: kernel.11.cloned.1.call-start
scs
__scs_entry_jumppad:
0x0: {  	(pc) =	sbr.rel $0x88, $3  }
0x1: {  	(tag) =	ssettag $0x0;
	lr =	simm.s32 $0x1  }
0x2: {  	[smem:$0x3F92] =	sst lr;
	_ =	strace $0xD0000000  }
0x3: {  	_ = 	snop  }
0x4: {  	_ = 	snop  }
0x5: {  	_ = 	snop  }
0x6: {  	_ = 	snop  }
0x7: {  	_ = 	snop  }
__scs_overlays_trampoline_lowered:
0x8: {  	[smem:$0x3FA1] =	sst s0  }
0x9: {  	[smem:$0x3FA2] =	sst s1  }
0xa: {  	[smem:$0x3FA3] =	sst s2  }
0xb: {  	[smem:$0x3FA4] =	sst s3  }
0xc: {  	[smem:$0x3FA5] =	sst s4  }
0xd: {  	[smem:$0x3FA6] =	sst s5  }
0xe: {  	[smem:$0x3FA7] =	sst s6  }
0xf: {  	[smem:$0x3FA8] =	sst s7  }
0x10: {  	[smem:$0x3FA9] =	sst s8  }
0x11: {  	[smem:$0x3FAA] =	sst s9;
	s0 =	simm.s32 @!p0 $0x0  }
0x12: {  	s1 =	sld [smem:$0x3F90];
	s0 =	simm.s32 @p0 $0x1  }
0x13: {  	[smem:$0x3FAB] =	sst s0;
	s0 =	simm.s32 @!p1 $0x0  }
0x14: {  	s2 =	sld [smem:$0x3F8F];
	s0 =	simm.s32 @p1 $0x1  }
0x15: {  	[smem:$0x3FAC] =	sst s0;
	s0 =	simm.s32 @!p2 $0x0  }
0x16: {  	s3 =	sld [smem:$0x3FDB];
	s0 =	simm.s32 @p2 $0x1  }
0x17: {  	s4 =	simm.s32 $0x1BF5;
	[smem:$0x3FAE] =	sst s0  }
0x18: {  	s0 =	sld [smem:$0x3F91];
	_ =	swait.ge [sflag:s4], $0x0  }
0x19: {  	s7 =	sld [smem:$0x3F92]  }
0x1a: {  	s8 =	sadd.s32 $0xFFFFE003, lr  }
0x1b: {  	s9 =	sadd.s32 $0xFFFFFEF7, lr;
	s5 =	simm.s32 $0xFFFFFFFF;
	p2 =	slt.u32 s8, $0xFFFFF086  }
0x1c: {  	p1 =	slt.u32 s9, $0xF7A;
	s5 =	simm.s32 @!p2 $0x0  }
0x1d: {  	s5 =	simm.s32 @p1 $0x1;
	p0 =	seq.s32 s7, s2  }
0x1e: {  	s7 =	smul.u32 @!p0 $0xF7A, s2;
	p2 =	seq.s32 @!p0 s5, $0x0  }
0x1f: {  	s9 =	smul.u32 $0xF7A, s1;
	s8 =	simm.s32 @!p0 $0x1BF5;
	p2 =	por !p2, p0  }
0x20: {  	[sflag:s8] =	ssyncset.s32 @!p0 $0xFFFFF086;
	s6 =	sadd.s32 @!p0 s3, s7;
	s7 =	simm.s32 @!p0 $0x108  }
0x21: {  	s3 =	sadd.s32 s3, s9;
	s6 =	sadd.s32 @!p0 $0x88, s6;
	s7 =	simm.s32 @p2 $0x1082  }
0x22: {  	[simem:s7], [sflag:s8] =	dma.local @!p0 [hbm:s6], $0xF7A  }
0x23: {  	s9 =	sor.u32 $0xD0000000, s2;
	s6 =	simm.s32 $0x108;
	_ =	swait.ge @!p0 [sflag:s8], $0x0  }
0x24: {  	s3 =	sadd.s32 $0x88, s3;
	s6 =	simm.s32 @!p1 $0x1082;
	[sflag:s4] =	ssyncset.s32 $0xFFFFF086  }
0x25: {  	[simem:s6], [sflag:s4] =	dma.local [hbm:s3], $0xF7A  }
0x26: {  	[smem:$0x3F92] =	sst s1;
	(tag) =	ssettag s2;
	_ =	strace s9  }
0x27: {  	s1 =	sld [smem:$0x3FA2]  }
0x28: {  	s2 =	sld [smem:$0x3FA3]  }
0x29: {  	s4 =	sld [smem:$0x3FA5]  }
0x2a: {  	p0 =	seq.s32 s5, $0x0;
	s5 =	sld [smem:$0x3FA6]  }
0x2b: {  	s6 =	sld [smem:$0x3FA7]  }
0x2c: {  	s7 =	sld [smem:$0x3FA8]  }
0x2d: {  	s3 =	simm.s32 $0x108;
	s8 =	sld [smem:$0x3FA9]  }
0x2e: {  	s3 =	simm.s32 @!p0 $0x1082;
	s9 =	sld [smem:$0x3FAA]  }
0x2f: {  	lr =	sadd.s32 s0, s3;
	s0 =	sld [smem:$0x3FA1]  }
0x30: {  	s3 =	sld [smem:$0x3FA4]  }
0x31: {  	[smem:$0x3FAD] =	sst s10  }
0x32: {  	s10 =	sld [smem:$0x3FAB];
	_ =	sdelay $0x3  }
0x33: {  	p0 =	seq.s32 s10, $0x1;
	s10 =	sld [smem:$0x3FAD];
	_ =	sdelay $0x3  }
0x34: {  	[smem:$0x3FAD] =	sst s10  }
0x35: {  	s10 =	sld [smem:$0x3FAC];
	_ =	sdelay $0x3  }
0x36: {  	p1 =	seq.s32 s10, $0x1;
	s10 =	sld [smem:$0x3FAD];
	_ =	sdelay $0x3  }
0x37: {  	[smem:$0x3FAD] =	sst s10  }
0x38: {  	s10 =	sld [smem:$0x3FAE]  }
0x39: {  	_ = 	snop;
	(pc) =	sbr.ind lr, $3  }
0x3a: {  	_ = 	snop  }
0x3b: {  	_ = 	snop  }
0x3c: {  	p2 =	seq.s32 s10, $0x1;
	s10 =	sld [smem:$0x3FAD]  }
0x3d: {  	_ =	shalt  }
0x3e: {  	_ =	shalt  }
0x3f: {  	_ =	shalt  }
0x40: {  	_ =	shalt  }
0x41: {  	_ =	shalt  }
0x42: {  	_ =	shalt  }
0x43: {  	_ =	shalt  }
0x44: {  	_ =	shalt  }
0x45: {  	_ =	shalt  }
0x46: {  	_ =	shalt  }
0x47: {  	_ =	shalt  }
0x48: {  	_ =	shalt  }
0x49: {  	_ =	shalt  }
0x4a: {  	_ =	shalt  }
0x4b: {  	_ =	shalt  }
0x4c: {  	_ =	shalt  }
0x4d: {  	_ =	shalt  }
0x4e: {  	_ =	shalt  }
0x4f: {  	_ =	shalt  }
0x50: {  	_ =	shalt  }
0x51: {  	_ =	shalt  }
0x52: {  	_ =	shalt  }
0x53: {  	_ =	shalt  }
0x54: {  	_ =	shalt  }
0x55: {  	_ =	shalt  }
0x56: {  	_ =	shalt  }
0x57: {  	_ =	shalt  }
0x58: {  	_ =	shalt  }
0x59: {  	_ =	shalt  }
0x5a: {  	_ =	shalt  }
0x5b: {  	_ =	shalt  }
0x5c: {  	_ =	shalt  }
0x5d: {  	_ =	shalt  }
0x5e: {  	_ =	shalt  }
0x5f: {  	_ =	shalt  }
0x60: {  	_ =	shalt  }
0x61: {  	_ =	shalt  }
0x62: {  	_ =	shalt  }
0x63: {  	_ =	shalt  }
0x64: {  	_ =	shalt  }
0x65: {  	_ =	shalt  }
0x66: {  	_ =	shalt  }
0x67: {  	_ =	shalt  }
0x68: {  	_ =	shalt  }
0x69: {  	_ =	shalt  }
0x6a: {  	_ =	shalt  }
0x6b: {  	_ =	shalt  }
0x6c: {  	_ =	shalt  }
0x6d: {  	_ =	shalt  }
0x6e: {  	_ =	shalt  }
0x6f: {  	_ =	shalt  }
0x70: {  	_ =	shalt  }
0x71: {  	_ =	shalt  }
0x72: {  	_ =	shalt  }
0x73: {  	_ =	shalt  }
0x74: {  	_ =	shalt  }
0x75: {  	_ =	shalt  }
0x76: {  	_ =	shalt  }
0x77: {  	_ =	shalt  }
0x78: {  	_ =	shalt  }
0x79: {  	_ =	shalt  }
0x7a: {  	_ =	shalt  }
0x7b: {  	_ =	shalt  }
0x7c: {  	_ =	shalt  }
0x7d: {  	_ =	shalt  }
0x7e: {  	_ =	shalt  }
0x7f: {  	_ =	shalt  }
0x80: {  	_ =	shalt  }
0x81: {  	_ =	shalt  }
0x82: {  	_ =	shalt  }
0x83: {  	_ =	shalt  }
0x84: {  	_ =	shalt  }
0x85: {  	_ =	shalt  }
0x86: {  	_ =	shalt  }
0x87: {  	_ =	shalt  }
.Lfunc_end0:
.L_simem_size_0:
called_computation.1_lowered:
.L_overlay_start_0:
0x88: {  	s2 =	sld [smem:$0x3FD9]  }
0x89: {  	s3 =	sld [smem:$0x3FFE];
	_ =	sdelay $0x1  }
0x8a: {  	s1 =	srdreg.scid  }
0x8b: {  	s0 =	sand.u32 $0x1, s1  }
0x8c: {  	s16 =	sshll.u32 s0, $0xA;
	s2 =	sadd.s32 s3, s2  }
0x8d: {  	s2 =	sadd.s32 s2, s16  }
0x8e: {  	[smem:$0x3FB9] =	sst s2  }
0x8f: {  	_ = 	snop  }
0x90: {  	(tm) =	ssettm $0x1  }
0x91: {  	s17 =	sld [smem:$0x3FFB];
	_ =	sdelay $0x3  }
0x92: {  	_ =	strace s17  }
0x93: {  	s2 =	sld [smem:$0x3FFC];
	_ =	sdelay $0x3  }
0x94: {  	_ =	strace s2  }
0x95: {  	s2 =	sld [smem:$0x3FFD];
	_ =	sdelay $0x3  }
0x96: {  	_ =	strace s2  }
0x97: {  	_ =	strace $0x8FFFFFFF  }
0x98: {  	s18 =	sld [smem:$0x3FDB];
	_ =	sdelay $0x1  }
0x99: {  	s19 =	simm.s32 $_scs_section_size  }
0x9a: {  	s4 =	simm.s32 $_size__tile_overlayer_lowered;
	s5 =	simm.s32 $_tile_overlayer_lowered  }
0x9b: {  	s22 =	simm.s32 $0x1BFF;
	s21 =	sshll.u32 s5, $0x1;
	s2 =	sadd.s32 s19, s18  }
0x9c: {  	s6 =	simm.s32 $0x0;
	s20 =	sshll.u32 s4, $0x1;
	s4 =	sadd.s32 s21, s2  }
0x9d: {  	[timem:s6], [sflag:s22] =	dma.local [hbm:s4], s20  }
0x9e: {  	_ =	swait.ge [sflag:s22], s20  }
0x9f: {  	s3 =	ssub.s32 $0x0, s20;
	[sflag:s22] =	ssyncset.done $0x0  }
0xa0: {  	[sflag:s22] =	ssyncadd.s32 s3;
	_ =	sdelay $0x1  }
0xa1: {  	s23 =	simm.s32 $0x1B8B  }
0xa2: {  	_ =	swait.ge [sflag:s23], $0x1  }
0xa3: {  	[sflag:s23] =	ssyncset.done $0x0  }
0xa4: {  	s25 =	simm.s32 $0x1B8E;
	s24 =	sld [smem:$0x3FFE];
	[sflag:s23] =	ssyncadd.s32 $0xFFFFFFFF  }
0xa5: {  	s26 =	simm.s32 $execute0_lowered;
	[smem:$0x3FD2] =	sst s25  }
0xa6: {  	s4 =	sshll.u32 s26, $0x1;
	_ =	strace $0x80000049;
	[dreg:$0x1] =	wrdreg $0xFFFFFFFF  }
0xa7: {  	s28 =	simm.s32 $_size_execute0_lowered;
	s2 =	sadd.s32 s2, s4;
	[dreg:$0x0] =	wrdreg $0x0  }
0xa8: {  	s4 =	sshll.u32 s28, $0x1;
	[dreg:$0x2] =	wrdreg s2  }
0xa9: {  	[dreg:$0x3] =	wrdreg s4  }
0xaa: {  	[dreg:$0x4] =	wrdreg $0xC0  }
0xab: {  	_ =	task [dreg:s6], $0x5FFFF  }
0xac: {  	[dreg:$0x1] =	wrdreg $0xFFFFFFFF  }
0xad: {  	[dreg:$0x0] =	wrdreg $0x60  }
0xae: {  	[dreg:$0x2] =	wrdreg s24  }
0xaf: {  	[dreg:$0x3] =	wrdreg $0x91000  }
0xb0: {  	[dreg:$0x4] =	wrdreg $0x9  }
0xb1: {  	_ =	task.clear_ibuf [dreg:s6], $0x5FFFF;
	_ =	strace $0x90000049  }
0xb2: {  	s29 =	simm.s32 $0x9;
	_ =	strace $0x8000004B  }
0xb3: {  	_ =	swait.ge [sflag:s29], $0x1  }
0xb4: {  	[sflag:s29] =	ssyncadd.s32 $0xFFFFFFFF  }
0xb5: {  	_ =	strace $0x9000004B  }
0xb6: {  	_ =	sfence  }
0xb7: {  	s30 =	sld [smem:$0x0];
	_ =	sdelay $0x2  }
0xb8: {  	s31 =	sshll.u32 s1, $0xD;
	s1 =	sshrl.u32 s1, $0x2  }
0xb9: {  	s3 =	sand.u32 $0x4000, s31;
	s1 =	sadd.s32 s1, s30  }
0xba: {  	s0 =	sor.u32 s3, s0;
	s1 =	sshll.u32 s1, $0x11  }
0xbb: {  	s0 =	sor.u32 s1, s0  }
0xbc: {  	s0 =	sadd.s32 $0x8F2B, s0  }
0xbd: {  	[sflag:s0] =	ssyncadd.remote.s32 $0x1  }
0xbe: {  	_ =	sfence.sel $0xFFFF  }
0xbf: {  	[dreg:$0x0] =	wrdreg $0xFFFFFFFF;
	(pc) =	sbr.abs _section_cstart, $3  }
0xc0: {  	[dreg:$0x1] =	wrdreg $0xFFFFFFFF  }
0xc1: {  	_ =	task.clear_ibuf [dreg:s6], $0x2FFFF;
	_ =	strace $0x9FFFFFFF  }
0xc2: {  	(tm) =	ssettm $0x7FFFFFFF  }
0xc3: {  	_ =	shalt  }
tec
execute0_lowered:
.L_overlay_start_1:
0x0: {  	(tag) =	ssettag $0x1  }
0x1: {  	s0 =	rddreg [dreg:$0x0]  }
0x2: {  	s2 =	rddreg [dreg:$0x1];
	s3 =	simm.s32 $0x0;
	s1 =	srdreg.scid  }
0x3: {  	s14 =	stileid.u32;
	s29 =	simm.s32 $0x3;
	s30 =	simm.s32 $0x50  }
0x4: {  	s31 =	simm.s32 $0x4100;
	[smem:$0x7FF] =	sst s3;
	s8 =	smul.u32 $0x280, s14  }
0x5: {  	s1 =	sand.u32 $0x1, s1;
	s4 =	sshll.u32 s14, $0x1;
	s11 =	smul.u32 $0x50000, s14  }
0x6: {  	s5 =	sadd.s32 $0x3800, s0;
	s18 =	smul.u32 $0x4E20, s14;
	_ =	strace $0x8000004A  }
0x7: {  	s7 =	sor.u32 s1, s4;
	s4 =	sadd.s32 $0x1DC00, s0;
	s9 =	smul.u32 $0x2800, s1  }
0x8: {  	s15 =	ssub.s32 $0x2, s1;
	s1 =	smul.u32 $0x2710, s1;
	s6 =	sshll.u32 s7, $0xB  }
0x9: {  	s12 =	sshrl.u32 s15, $0x1;
	s7 =	smul.u32 $0x2710, s7;
	s16 =	sshrl.u32 s11, $0x2  }
0xa: {  	s10 =	sadd.s32 s6, s0;
	s6 =	sadd.s32 $0x1D600, s0;
	s8 =	sadd.s32 s9, s8  }
0xb: {  	s9 =	ssub.s32 s15, s12;
	s1 =	sadd.s32 s1, s18;
	s8 =	sshll.u32 s8, $0x4  }
0xc: {  	s10 =	sadd.s32 $0xD600, s10;
	s7 =	sshrl.u32 s7, $0x3;
	s17 =	smax.u32 s9, $0x1  }
0xd: {  	s25 =	sadd.s32 $0x50, s1;
	s9 =	simm.s32 $0x2;
	s0 =	sadd.s32 s8, s0  }
0xe: {  	[dreg:$0x3] =	wrdreg s10;
	s8 =	sadd.s32 s16, s2;
	s7 =	sadd.s32 s5, s7  }
0xf: {  	[dreg:$0x5] =	wrdreg s17;
	s26 =	sshrl.u32 s25, $0x3;
	s10 =	simm.s32 $0x0  }
0x10: {  	[dreg:$0x4] =	wrdreg s7;
	s11 =	sadd.s32 $0x2800, s8;
	s12 =	sadd.s32 $0x5000, s8  }
0x11: {  	s13 =	sadd.s32 $0x7800, s8;
	s14 =	sadd.s32 $0xA000, s8;
	s19 =	sadd.s32 $0x44E00, s0  }
0x12: {  	s15 =	sadd.s32 $0xC800, s8;
	s20 =	sadd.s32 $0x45300, s0;
	[dreg:$0x6] =	wrdreg s19  }
0x13: {  	s21 =	sadd.s32 $0x45800, s0;
	s22 =	sadd.s32 $0x45D00, s0;
	[dreg:$0x7] =	wrdreg s20  }
0x14: {  	s23 =	sadd.s32 $0x46200, s0;
	s24 =	sadd.s32 $0x46700, s0;
	[dreg:$0x8] =	wrdreg s21  }
0x15: {  	s25 =	sadd.s32 s26, s5;
	s26 =	sadd.s32 $0xF000, s8;
	[dreg:$0x9] =	wrdreg s22  }
0x16: {  	s28 =	sadd.s32 $0x11800, s8;
	s7 =	simm.s32 $0x1;
	[dreg:$0xa] =	wrdreg s23  }
0x17: {  	[dreg:$0xb] =	wrdreg s24;
	s22 =	sadd.s32 $0x46C00, s0;
	s23 =	sadd.s32 $0x47100, s0  }
0x18: {  	s24 =	sadd.s32 $0xA0, s1;
	s0 =	simm.s32 $0x80;
	s1 =	simm.s32 $0x6900  }
.LBB2_1:
0x19: {  	s16 =	simm.s32 $0x100;
	s17 =	rddreg [dreg:$0x3]  }
0x1a: {  	[tilespmem:s16], [sflag:$0x3] =	stream.linear.gather [hbm4b:s17+s3], $0x3E80, $0x38;
	[tilespmem:$0x1D100] =	vst v63  }
0x1b: {  	s20 =	stileid.u32;
	_ =	swait.ge [sflag:s29], $0x3E80  }
0x1c: {  	s17 =	sshll.u32 s20, $0x6;
	[sflag:s29] =	ssyncset.done $0x0  }
0x1d: {  	s18 =	sshrl.u32 s8, $0x3;
	s17 =	sor.u32 $0x1C03, s17;
	[sflag:s29] =	ssyncadd.s32 $0xFFFFC180  }
0x1e: {  	[spmem:s18], [sflag:s17] =	dma.local [hbm:s6], $0x500  }
0x1f: {  	_ =	swait.ge [sflag:s29], $0x500  }
0x20: {  	[sflag:s29] =	ssyncset.done $0x0  }
0x21: {  	s21 =	sshrl.u32 s11, $0x3;
	[sflag:s29] =	ssyncadd.s32 $0xFFFFFB00  }
0x22: {  	[spmem:s21], [sflag:s17] =	dma.local [hbm:s6], $0x500  }
0x23: {  	_ =	swait.ge [sflag:s29], $0x500  }
0x24: {  	[sflag:s29] =	ssyncset.done $0x0  }
0x25: {  	s19 =	sshrl.u32 s12, $0x3;
	[sflag:s29] =	ssyncadd.s32 $0xFFFFFB00  }
0x26: {  	[spmem:s19], [sflag:s17] =	dma.local [hbm:s6], $0x500  }
0x27: {  	_ =	swait.ge [sflag:s29], $0x500  }
0x28: {  	[sflag:s29] =	ssyncset.done $0x0  }
0x29: {  	s20 =	sshrl.u32 s13, $0x3;
	[sflag:s29] =	ssyncadd.s32 $0xFFFFFB00  }
0x2a: {  	[spmem:s20], [sflag:s17] =	dma.local [hbm:s6], $0x500  }
0x2b: {  	_ =	swait.ge [sflag:s29], $0x500  }
0x2c: {  	[sflag:s29] =	ssyncset.done $0x0  }
0x2d: {  	s21 =	sshrl.u32 s14, $0x3;
	[sflag:s29] =	ssyncadd.s32 $0xFFFFFB00  }
0x2e: {  	[spmem:s21], [sflag:s17] =	dma.local [hbm:s6], $0x500  }
0x2f: {  	_ =	swait.ge [sflag:s29], $0x500  }
0x30: {  	[sflag:s29] =	ssyncset.done $0x0  }
0x31: {  	s19 =	sshrl.u32 s15, $0x3;
	[sflag:s29] =	ssyncadd.s32 $0xFFFFFB00  }
0x32: {  	[spmem:s19], [sflag:s17] =	dma.local [hbm:s6], $0x500  }
0x33: {  	_ =	swait.ge [sflag:s29], $0x500  }
0x34: {  	[sflag:s29] =	ssyncset.done $0x0  }
0x35: {  	s20 =	sshrl.u32 s26, $0x3;
	[sflag:s29] =	ssyncadd.s32 $0xFFFFFB00  }
0x36: {  	[spmem:s20], [sflag:s17] =	dma.local [hbm:s6], $0x500  }
0x37: {  	_ =	swait.ge [sflag:s29], $0x500  }
0x38: {  	[sflag:s29] =	ssyncset.done $0x0  }
0x39: {  	s21 =	sshrl.u32 s28, $0x3;
	[sflag:s29] =	ssyncadd.s32 $0xFFFFFB00  }
0x3a: {  	[spmem:s21], [sflag:s17] =	dma.local [hbm:s6], $0x500  }
0x3b: {  	_ =	swait.ge [sflag:s29], $0x500  }
0x3c: {  	[sflag:s29] =	ssyncset.done $0x0  }
0x3d: {  	[sflag:s29] =	ssyncadd.s32 $0xFFFFFB00  }
0x3e: {  	[bflag:$0x0] =	sbarrier.arrive $0xFFFF  }
0x3f: {  	s18 =	rddreg [dreg:$0x4]  }
0x40: {  	[tilespmem:s3], [sflag:$0x3] =	stream.linear.gather [hbm4b:s18+s3], $0x50, $0x38;
	[tilespmem:$0x1D100] =	vst v63  }
0x41: {  	_ =	swait.ge [sflag:s29], $0x50  }
0x42: {  	[sflag:s29] =	ssyncset.done $0x0  }
0x43: {  	[sflag:s29] =	ssyncadd.s32 $0xFFFFFFB0  }
0x44: {  	[tilespmem:s31], [sflag:$0x1] =	stream.indirect.gather [hbm4b:s4+s30], $0x80, s3, s30, $0xb8;
	[tilespmem:$0x1D100] =	vst v63  }
0x45: {  	s19 =	sadd.s32 $0x0, s25  }
0x46: {  	[tilespmem:s0], [sflag:$0x3] =	stream.linear.gather [hbm4b:s19+s3], $0x50, $0x38;
	[tilespmem:$0x1D100] =	vst v63  }
0x47: {  	_ =	swait.ge [sflag:s29], $0x50  }
0x48: {  	[sflag:s29] =	ssyncset.done $0x0  }
0x49: {  	[sflag:s29] =	ssyncadd.s32 $0xFFFFFFB0  }
0x4a: {  	[tilespmem:s1], [sflag:$0x2] =	stream.indirect.gather [hbm4b:s4+s30], $0x80, s0, s30, $0xb8;
	[tilespmem:$0x1D100] =	vst v63  }
0x4b: {  	_ =	swait.ge [sflag:s7], $0x2800  }
0x4c: {  	[sflag:s7] =	ssyncset.done $0x0  }
0x4d: {  	[sflag:s7] =	ssyncadd.s32 $0xFFFFD800  }
0x4e: {  	[spmem:s2] =	stream.indirect.scatter.add.f32 [tilespmem:s31], [sflag:$0x3], $0x80, s16, s30, $0xb8;
	[tilespmem:$0x1D100] =	vst v63  }
0x4f: {  	_ =	swait.ge [sflag:s29], $0x2800  }
0x50: {  	s20 =	sshrl.u32 s24, $0x3;
	[sflag:s29] =	ssyncset.done $0x0  }
0x51: {  	s16 =	sadd.s32 s5, s20;
	[sflag:s29] =	ssyncadd.s32 $0xFFFFD800  }
0x52: {  	[tilespmem:s3], [sflag:$0x3] =	stream.linear.gather [hbm4b:s16+s3], $0x50, $0x38;
	[tilespmem:$0x1D100] =	vst v63  }
0x53: {  	_ =	swait.ge [sflag:s29], $0x50  }
0x54: {  	[sflag:s29] =	ssyncset.done $0x0  }
0x55: {  	[sflag:s29] =	ssyncadd.s32 $0xFFFFFFB0  }
0x56: {  	[tilespmem:s31], [sflag:$0x1] =	stream.indirect.gather [hbm4b:s4+s30], $0x80, s3, s30, $0xb8;
	[tilespmem:$0x1D100] =	vst v63  }
0x57: {  	_ =	swait.ge [sflag:s9], $0x2800  }
0x58: {  	[sflag:s9] =	ssyncset.done $0x0  }
0x59: {  	s21 =	simm.s32 $0x180;
	[sflag:s9] =	ssyncadd.s32 $0xFFFFD800  }
0x5a: {  	[spmem:s2] =	stream.indirect.scatter.add.f32 [tilespmem:s1], [sflag:$0x3], $0x80, s21, s30, $0xb8;
	[tilespmem:$0x1D100] =	vst v63  }
0x5b: {  	s17 =	sadd.s32 $0xA0, s24;
	s18 =	simm.s32 $0x14;
	_ =	swait.ge [sflag:s29], $0x2800  }
0x5c: {  	s19 =	simm.s32 $0x28;
	s16 =	simm.s32 $0x200;
	[sflag:s29] =	ssyncset.done $0x0  }
.LBB2_2:
0x5d: {  	s20 =	sadd.s32 s18, s25  }
0x5e: {  	[sflag:s29] =	ssyncadd.s32 $0xFFFFD800;
	s18 =	smov.u32 s19;
	s21 =	sadd.s32 $0x14, s19  }
0x5f: {  	[tilespmem:s0], [sflag:$0x3] =	stream.linear.gather [hbm4b:s20+s3], $0x50, $0x38;
	[tilespmem:$0x1D100] =	vst v63  }
0x60: {  	p0 =	sne.s32 s19, $0x4C4;
	_ =	swait.ge [sflag:s29], $0x50  }
0x61: {  	[sflag:s29] =	ssyncset.done $0x0  }
0x62: {  	[sflag:s29] =	ssyncadd.s32 $0xFFFFFFB0  }
0x63: {  	[tilespmem:s1], [sflag:$0x2] =	stream.indirect.gather [hbm4b:s4+s30], $0x80, s0, s30, $0xb8;
	[tilespmem:$0x1D100] =	vst v63  }
0x64: {  	_ =	swait.ge [sflag:s7], $0x2800  }
0x65: {  	[sflag:s7] =	ssyncset.done $0x0  }
0x66: {  	[sflag:s7] =	ssyncadd.s32 $0xFFFFD800  }
0x67: {  	[spmem:s2] =	stream.indirect.scatter.add.f32 [tilespmem:s31], [sflag:$0x3], $0x80, s16, s30, $0xb8;
	[tilespmem:$0x1D100] =	vst v63  }
0x68: {  	_ =	swait.ge [sflag:s29], $0x2800  }
0x69: {  	s19 =	sshrl.u32 s17, $0x3;
	[sflag:s29] =	ssyncset.done $0x0  }
0x6a: {  	s19 =	sadd.s32 s5, s19;
	[sflag:s29] =	ssyncadd.s32 $0xFFFFD800  }
0x6b: {  	[tilespmem:s3], [sflag:$0x3] =	stream.linear.gather [hbm4b:s19+s3], $0x50, $0x38;
	[tilespmem:$0x1D100] =	vst v63  }
0x6c: {  	_ =	swait.ge [sflag:s29], $0x50  }
0x6d: {  	[sflag:s29] =	ssyncset.done $0x0  }
0x6e: {  	[sflag:s29] =	ssyncadd.s32 $0xFFFFFFB0  }
0x6f: {  	[tilespmem:s31], [sflag:$0x1] =	stream.indirect.gather [hbm4b:s4+s30], $0x80, s3, s30, $0xb8;
	[tilespmem:$0x1D100] =	vst v63  }
0x70: {  	_ =	swait.ge [sflag:s9], $0x2800  }
.Ltmp0:
0x71: {  	[sflag:s9] =	ssyncset.done $0x0;
	(pc) =	sbr.rel @p0 .LBB2_2-.Ltmp0, $4  }
0x72: {  	s19 =	sadd.s32 $0x80, s16;
	[sflag:s9] =	ssyncadd.s32 $0xFFFFD800  }
0x73: {  	[spmem:s2] =	stream.indirect.scatter.add.f32 [tilespmem:s1], [sflag:$0x3], $0x80, s19, s30, $0xb8;
	[tilespmem:$0x1D100] =	vst v63  }
0x74: {  	s17 =	sadd.s32 $0xA0, s17;
	_ =	swait.ge [sflag:s29], $0x2800  }
0x75: {  	s16 =	sadd.s32 $0x100, s16;
	s19 =	smov.u32 s21;
	[sflag:s29] =	ssyncset.done $0x0  }
0x76: {  	s18 =	sadd.s32 s18, s25;
	[sflag:s29] =	ssyncadd.s32 $0xFFFFD800  }
0x77: {  	[tilespmem:s0], [sflag:$0x3] =	stream.linear.gather [hbm4b:s18+s3], $0x50, $0x38;
	[tilespmem:$0x1D100] =	vst v63  }
0x78: {  	_ =	swait.ge [sflag:s29], $0x50  }
0x79: {  	[sflag:s29] =	ssyncset.done $0x0  }
0x7a: {  	[sflag:s29] =	ssyncadd.s32 $0xFFFFFFB0  }
0x7b: {  	[tilespmem:s1], [sflag:$0x2] =	stream.indirect.gather [hbm4b:s4+s30], $0x80, s0, s30, $0xb8;
	[tilespmem:$0x1D100] =	vst v63  }
0x7c: {  	_ =	swait.ge [sflag:s7], $0x2800  }
0x7d: {  	[sflag:s7] =	ssyncset.done $0x0  }
0x7e: {  	[sflag:s7] =	ssyncadd.s32 $0xFFFFD800  }
0x7f: {  	[spmem:s2] =	stream.indirect.scatter.add.f32 [tilespmem:s31], [sflag:$0x3], $0x80, s16, s30, $0xb8;
	[tilespmem:$0x1D100] =	vst v63  }
0x80: {  	_ =	swait.ge [sflag:s29], $0x2800  }
0x81: {  	s17 =	sshrl.u32 s17, $0x3;
	[sflag:s29] =	ssyncset.done $0x0  }
0x82: {  	s17 =	sadd.s32 s5, s17;
	[sflag:s29] =	ssyncadd.s32 $0xFFFFD800  }
0x83: {  	[tilespmem:s3], [sflag:$0x3] =	stream.linear.gather [hbm4b:s17+s3], $0x50, $0x38;
	[tilespmem:$0x1D100] =	vst v63  }
0x84: {  	_ =	swait.ge [sflag:s29], $0x50  }
0x85: {  	[sflag:s29] =	ssyncset.done $0x0  }
0x86: {  	[sflag:s29] =	ssyncadd.s32 $0xFFFFFFB0  }
0x87: {  	[tilespmem:s31], [sflag:$0x1] =	stream.indirect.gather [hbm4b:s4+s30], $0x80, s3, s30, $0xb8;
	[tilespmem:$0x1D100] =	vst v63  }
0x88: {  	_ =	swait.ge [sflag:s9], $0x2800  }
0x89: {  	[sflag:s9] =	ssyncset.done $0x0  }
0x8a: {  	s18 =	sadd.s32 $0x80, s16;
	[sflag:s9] =	ssyncadd.s32 $0xFFFFD800  }
0x8b: {  	[spmem:s2] =	stream.indirect.scatter.add.f32 [tilespmem:s1], [sflag:$0x3], $0x80, s18, s30, $0xb8;
	[tilespmem:$0x1D100] =	vst v63  }
0x8c: {  	_ =	swait.ge [sflag:s29], $0x2800  }
0x8d: {  	[sflag:s29] =	ssyncset.done $0x0  }
0x8e: {  	[sflag:s29] =	ssyncadd.s32 $0xFFFFD800  }
0x8f: {  	_ =	swait.ge [sflag:s7], $0x2800  }
0x90: {  	[sflag:s7] =	ssyncset.done $0x0  }
0x91: {  	s19 =	simm.s32 $0x3F00;
	[sflag:s7] =	ssyncadd.s32 $0xFFFFD800  }
0x92: {  	[spmem:s2] =	stream.indirect.scatter.add.f32 [tilespmem:s31], [sflag:$0x3], $0x80, s19, s30, $0xb8;
	[tilespmem:$0x1D100] =	vst v63  }
0x93: {  	_ =	swait.ge [sflag:s29], $0x2800  }
0x94: {  	[sflag:s29] =	ssyncset.done $0x0  }
0x95: {  	[sflag:s29] =	ssyncadd.s32 $0xFFFFD800  }
0x96: {  	[bflag:$0x0] =	sbarrier.arrive $0xFFFF  }
0x97: {  	[tilespmem:s31], [sflag:$0x3] =	stream.linear.gather [spmem:s8], $0x2800, $0x38;
	[tilespmem:$0x1D100] =	vst v63  }
0x98: {  	_ =	swait.ge [sflag:s29], $0x2800  }
0x99: {  	[sflag:s29] =	ssyncset.done $0x0  }
0x9a: {  	s20 =	rddreg [dreg:$0x6];
	[sflag:s29] =	ssyncadd.s32 $0xFFFFD800  }
0x9b: {  	[hbm4b:s20+s3] =	stream.linear.scatter [tilespmem:s31], [sflag:$0x3], $0x2800, $0x38;
	[tilespmem:$0x1D100] =	vst v63  }
0x9c: {  	_ =	swait.ge [sflag:s29], $0x2800  }
0x9d: {  	[sflag:s29] =	ssyncset.done $0x0  }
0x9e: {  	[sflag:s29] =	ssyncadd.s32 $0xFFFFD800  }
0x9f: {  	[tilespmem:s31], [sflag:$0x3] =	stream.linear.gather [spmem:s11], $0x2800, $0x38;
	[tilespmem:$0x1D100] =	vst v63  }
0xa0: {  	_ =	swait.ge [sflag:s29], $0x2800  }
0xa1: {  	[sflag:s29] =	ssyncset.done $0x0  }
0xa2: {  	s21 =	rddreg [dreg:$0x7];
	[sflag:s29] =	ssyncadd.s32 $0xFFFFD800  }
0xa3: {  	[hbm4b:s21+s3] =	stream.linear.scatter [tilespmem:s31], [sflag:$0x3], $0x2800, $0x38;
	[tilespmem:$0x1D100] =	vst v63  }
0xa4: {  	_ =	swait.ge [sflag:s29], $0x2800  }
0xa5: {  	[sflag:s29] =	ssyncset.done $0x0  }
0xa6: {  	[sflag:s29] =	ssyncadd.s32 $0xFFFFD800  }
0xa7: {  	[tilespmem:s31], [sflag:$0x3] =	stream.linear.gather [spmem:s12], $0x2800, $0x38;
	[tilespmem:$0x1D100] =	vst v63  }
0xa8: {  	_ =	swait.ge [sflag:s29], $0x2800  }
0xa9: {  	[sflag:s29] =	ssyncset.done $0x0  }
0xaa: {  	s17 =	rddreg [dreg:$0x8];
	[sflag:s29] =	ssyncadd.s32 $0xFFFFD800  }
0xab: {  	[hbm4b:s17+s3] =	stream.linear.scatter [tilespmem:s31], [sflag:$0x3], $0x2800, $0x38;
	[tilespmem:$0x1D100] =	vst v63  }
0xac: {  	_ =	swait.ge [sflag:s29], $0x2800  }
0xad: {  	[sflag:s29] =	ssyncset.done $0x0  }
0xae: {  	[sflag:s29] =	ssyncadd.s32 $0xFFFFD800  }
0xaf: {  	[tilespmem:s31], [sflag:$0x3] =	stream.linear.gather [spmem:s13], $0x2800, $0x38;
	[tilespmem:$0x1D100] =	vst v63  }
0xb0: {  	_ =	swait.ge [sflag:s29], $0x2800  }
0xb1: {  	[sflag:s29] =	ssyncset.done $0x0  }
0xb2: {  	s18 =	rddreg [dreg:$0x9];
	[sflag:s29] =	ssyncadd.s32 $0xFFFFD800  }
0xb3: {  	[hbm4b:s18+s3] =	stream.linear.scatter [tilespmem:s31], [sflag:$0x3], $0x2800, $0x38;
	[tilespmem:$0x1D100] =	vst v63  }
0xb4: {  	_ =	swait.ge [sflag:s29], $0x2800  }
0xb5: {  	[sflag:s29] =	ssyncset.done $0x0  }
0xb6: {  	[sflag:s29] =	ssyncadd.s32 $0xFFFFD800  }
0xb7: {  	[tilespmem:s31], [sflag:$0x3] =	stream.linear.gather [spmem:s14], $0x2800, $0x38;
	[tilespmem:$0x1D100] =	vst v63  }
0xb8: {  	_ =	swait.ge [sflag:s29], $0x2800  }
0xb9: {  	[sflag:s29] =	ssyncset.done $0x0  }
0xba: {  	s19 =	rddreg [dreg:$0xa];
	[sflag:s29] =	ssyncadd.s32 $0xFFFFD800  }
0xbb: {  	[hbm4b:s19+s3] =	stream.linear.scatter [tilespmem:s31], [sflag:$0x3], $0x2800, $0x38;
	[tilespmem:$0x1D100] =	vst v63  }
0xbc: {  	_ =	swait.ge [sflag:s29], $0x2800  }
0xbd: {  	[sflag:s29] =	ssyncset.done $0x0  }
0xbe: {  	[sflag:s29] =	ssyncadd.s32 $0xFFFFD800  }
0xbf: {  	[tilespmem:s31], [sflag:$0x3] =	stream.linear.gather [spmem:s15], $0x2800, $0x38;
	[tilespmem:$0x1D100] =	vst v63  }
0xc0: {  	_ =	swait.ge [sflag:s29], $0x2800  }
0xc1: {  	[sflag:s29] =	ssyncset.done $0x0  }
0xc2: {  	s20 =	rddreg [dreg:$0xb];
	[sflag:s29] =	ssyncadd.s32 $0xFFFFD800  }
0xc3: {  	[hbm4b:s20+s3] =	stream.linear.scatter [tilespmem:s31], [sflag:$0x3], $0x2800, $0x38;
	[tilespmem:$0x1D100] =	vst v63  }
0xc4: {  	_ =	swait.ge [sflag:s29], $0x2800  }
0xc5: {  	[sflag:s29] =	ssyncset.done $0x0  }
0xc6: {  	[sflag:s29] =	ssyncadd.s32 $0xFFFFD800  }
0xc7: {  	[tilespmem:s31], [sflag:$0x3] =	stream.linear.gather [spmem:s26], $0x2800, $0x38;
	[tilespmem:$0x1D100] =	vst v63  }
0xc8: {  	_ =	swait.ge [sflag:s29], $0x2800  }
0xc9: {  	[sflag:s29] =	ssyncset.done $0x0  }
0xca: {  	[sflag:s29] =	ssyncadd.s32 $0xFFFFD800  }
0xcb: {  	[hbm4b:s22+s3] =	stream.linear.scatter [tilespmem:s31], [sflag:$0x3], $0x2800, $0x38;
	[tilespmem:$0x1D100] =	vst v63  }
0xcc: {  	_ =	swait.ge [sflag:s29], $0x2800  }
0xcd: {  	[sflag:s29] =	ssyncset.done $0x0  }
0xce: {  	[sflag:s29] =	ssyncadd.s32 $0xFFFFD800  }
0xcf: {  	[tilespmem:s31], [sflag:$0x3] =	stream.linear.gather [spmem:s28], $0x2800, $0x38;
	[tilespmem:$0x1D100] =	vst v63  }
0xd0: {  	_ =	swait.ge [sflag:s29], $0x2800  }
0xd1: {  	[sflag:s29] =	ssyncset.done $0x0  }
0xd2: {  	[sflag:s29] =	ssyncadd.s32 $0xFFFFD800  }
0xd3: {  	[hbm4b:s23+s3] =	stream.linear.scatter [tilespmem:s31], [sflag:$0x3], $0x2800, $0x38;
	[tilespmem:$0x1D100] =	vst v63  }
0xd4: {  	_ =	swait.ge [sflag:s29], $0x2800  }
0xd5: {  	s10 =	sadd.s32 $0x1, s10;
	s21 =	rddreg [dreg:$0x5]  }
0xd6: {  	p0 =	sne.s32 s10, s21  }
.Ltmp1:
0xd7: {  	_ = 	snop;
	(pc) =	sbr.rel @p0 .LBB2_1-.Ltmp1, $3  }
0xd8: {  	_ =	sdelay $0x1  }
0xd9: {  	[sflag:s29] =	ssyncset.done $0x0  }
0xda: {  	[sflag:s29] =	ssyncadd.s32 $0xFFFFD800  }
0xdb: {  	_ =	sfence.sel $0x180000  }
0xdc: {  	[bflag:$0x0] =	sbarrier.arrive $0xFFFF  }
0xdd: {  	_ =	strace $0x9000004A  }
0xde: {  	s0 =	stileid.u32;
	[bflag:$0x2] =	sbarrier.arrive $0xFFFF  }
0xdf: {  	p0 =	sne.s32 s0, $0x0;
	s0 =	rddreg [dreg:$0x2]  }
0xe0: {  	s0 =	sadd.s32 @!p0 $0x100000, s0  }
0xe1: {  	[sflag:s0] =	ssyncadd.tile.s32 @!p0 $0x1;
	_ =	shalt  }
.Lfunc_end2:
_tile_overlayer_lowered:
.L_overlay_start_2:
0xe2: {  	(tag) =	ssettag $0x2  }
0xe3: {  	s0 =	rddreg [dreg:$0x0];
	s2 =	stileid.u32  }
0xe4: {  	s1 =	rddreg [dreg:$0x1];
	p0 =	sne.s32 s2, $0x0  }
0xe5: {  	s3 =	rddreg [dreg:$0x2];
	[bflag:$0x3] =	sbarrier.arrive $0xFFFF;
	s2 =	simm.s32 @!p0 $0x1C03  }
0xe6: {  	[timem:s3], [sflag:s2] =	dma.local @!p0 [hbm:s0], s1  }
0xe7: {  	s0 =	simm.s32 @!p0 $0x3  }
0xe8: {  	_ =	swait.ge @!p0 [sflag:s0], s1  }
0xe9: {  	s1 =	ssub.s32 @!p0 $0x0, s1;
	[sflag:s0] =	ssyncset.done @!p0 $0x0  }
0xea: {  	[sflag:s0] =	ssyncadd.s32 @!p0 s1  }
0xeb: {  	[bflag:$0x3] =	sbarrier.arrive $0xFFFF  }
0xec: {  	_ =	shalt  }

// kernel: kernel.14.cloned.1.call-start
scs
__scs_entry_jumppad:
0x0: {  	(pc) =	sbr.rel $0x88, $3  }
0x1: {  	(tag) =	ssettag $0x0;
	lr =	simm.s32 $0x1  }
0x2: {  	[smem:$0x3F92] =	sst lr;
	_ =	strace $0xD0000000  }
0x3: {  	_ = 	snop  }
0x4: {  	_ = 	snop  }
0x5: {  	_ = 	snop  }
0x6: {  	_ = 	snop  }
0x7: {  	_ = 	snop  }
__scs_overlays_trampoline_lowered:
0x8: {  	[smem:$0x3FA1] =	sst s0  }
0x9: {  	[smem:$0x3FA2] =	sst s1  }
0xa: {  	[smem:$0x3FA3] =	sst s2  }
0xb: {  	[smem:$0x3FA4] =	sst s3  }
0xc: {  	[smem:$0x3FA5] =	sst s4  }
0xd: {  	[smem:$0x3FA6] =	sst s5  }
0xe: {  	[smem:$0x3FA7] =	sst s6  }
0xf: {  	[smem:$0x3FA8] =	sst s7  }
0x10: {  	[smem:$0x3FA9] =	sst s8  }
0x11: {  	[smem:$0x3FAA] =	sst s9;
	s0 =	simm.s32 @!p0 $0x0  }
0x12: {  	s1 =	sld [smem:$0x3F90];
	s0 =	simm.s32 @p0 $0x1  }
0x13: {  	[smem:$0x3FAB] =	sst s0;
	s0 =	simm.s32 @!p1 $0x0  }
0x14: {  	s2 =	sld [smem:$0x3F8F];
	s0 =	simm.s32 @p1 $0x1  }
0x15: {  	[smem:$0x3FAC] =	sst s0;
	s0 =	simm.s32 @!p2 $0x0  }
0x16: {  	s3 =	sld [smem:$0x3FDB];
	s0 =	simm.s32 @p2 $0x1  }
0x17: {  	s4 =	simm.s32 $0x1BF5;
	[smem:$0x3FAE] =	sst s0  }
0x18: {  	s0 =	sld [smem:$0x3F91];
	_ =	swait.ge [sflag:s4], $0x0  }
0x19: {  	s7 =	sld [smem:$0x3F92]  }
0x1a: {  	s8 =	sadd.s32 $0xFFFFE003, lr  }
0x1b: {  	s9 =	sadd.s32 $0xFFFFFEF7, lr;
	s5 =	simm.s32 $0xFFFFFFFF;
	p2 =	slt.u32 s8, $0xFFFFF086  }
0x1c: {  	p1 =	slt.u32 s9, $0xF7A;
	s5 =	simm.s32 @!p2 $0x0  }
0x1d: {  	s5 =	simm.s32 @p1 $0x1;
	p0 =	seq.s32 s7, s2  }
0x1e: {  	s7 =	smul.u32 @!p0 $0xF7A, s2;
	p2 =	seq.s32 @!p0 s5, $0x0  }
0x1f: {  	s9 =	smul.u32 $0xF7A, s1;
	s8 =	simm.s32 @!p0 $0x1BF5;
	p2 =	por !p2, p0  }
0x20: {  	[sflag:s8] =	ssyncset.s32 @!p0 $0xFFFFF086;
	s6 =	sadd.s32 @!p0 s3, s7;
	s7 =	simm.s32 @!p0 $0x108  }
0x21: {  	s3 =	sadd.s32 s3, s9;
	s6 =	sadd.s32 @!p0 $0x88, s6;
	s7 =	simm.s32 @p2 $0x1082  }
0x22: {  	[simem:s7], [sflag:s8] =	dma.local @!p0 [hbm:s6], $0xF7A  }
0x23: {  	s9 =	sor.u32 $0xD0000000, s2;
	s6 =	simm.s32 $0x108;
	_ =	swait.ge @!p0 [sflag:s8], $0x0  }
0x24: {  	s3 =	sadd.s32 $0x88, s3;
	s6 =	simm.s32 @!p1 $0x1082;
	[sflag:s4] =	ssyncset.s32 $0xFFFFF086  }
0x25: {  	[simem:s6], [sflag:s4] =	dma.local [hbm:s3], $0xF7A  }
0x26: {  	[smem:$0x3F92] =	sst s1;
	(tag) =	ssettag s2;
	_ =	strace s9  }
0x27: {  	s1 =	sld [smem:$0x3FA2]  }
0x28: {  	s2 =	sld [smem:$0x3FA3]  }
0x29: {  	s4 =	sld [smem:$0x3FA5]  }
0x2a: {  	p0 =	seq.s32 s5, $0x0;
	s5 =	sld [smem:$0x3FA6]  }
0x2b: {  	s6 =	sld [smem:$0x3FA7]  }
0x2c: {  	s7 =	sld [smem:$0x3FA8]  }
0x2d: {  	s3 =	simm.s32 $0x108;
	s8 =	sld [smem:$0x3FA9]  }
0x2e: {  	s3 =	simm.s32 @!p0 $0x1082;
	s9 =	sld [smem:$0x3FAA]  }
0x2f: {  	lr =	sadd.s32 s0, s3;
	s0 =	sld [smem:$0x3FA1]  }
0x30: {  	s3 =	sld [smem:$0x3FA4]  }
0x31: {  	[smem:$0x3FAD] =	sst s10  }
0x32: {  	s10 =	sld [smem:$0x3FAB];
	_ =	sdelay $0x3  }
0x33: {  	p0 =	seq.s32 s10, $0x1;
	s10 =	sld [smem:$0x3FAD];
	_ =	sdelay $0x3  }
0x34: {  	[smem:$0x3FAD] =	sst s10  }
0x35: {  	s10 =	sld [smem:$0x3FAC];
	_ =	sdelay $0x3  }
0x36: {  	p1 =	seq.s32 s10, $0x1;
	s10 =	sld [smem:$0x3FAD];
	_ =	sdelay $0x3  }
0x37: {  	[smem:$0x3FAD] =	sst s10  }
0x38: {  	s10 =	sld [smem:$0x3FAE]  }
0x39: {  	_ = 	snop;
	(pc) =	sbr.ind lr, $3  }
0x3a: {  	_ = 	snop  }
0x3b: {  	_ = 	snop  }
0x3c: {  	p2 =	seq.s32 s10, $0x1;
	s10 =	sld [smem:$0x3FAD]  }
0x3d: {  	_ =	shalt  }
0x3e: {  	_ =	shalt  }
0x3f: {  	_ =	shalt  }
0x40: {  	_ =	shalt  }
0x41: {  	_ =	shalt  }
0x42: {  	_ =	shalt  }
0x43: {  	_ =	shalt  }
0x44: {  	_ =	shalt  }
0x45: {  	_ =	shalt  }
0x46: {  	_ =	shalt  }
0x47: {  	_ =	shalt  }
0x48: {  	_ =	shalt  }
0x49: {  	_ =	shalt  }
0x4a: {  	_ =	shalt  }
0x4b: {  	_ =	shalt  }
0x4c: {  	_ =	shalt  }
0x4d: {  	_ =	shalt  }
0x4e: {  	_ =	shalt  }
0x4f: {  	_ =	shalt  }
0x50: {  	_ =	shalt  }
0x51: {  	_ =	shalt  }
0x52: {  	_ =	shalt  }
0x53: {  	_ =	shalt  }
0x54: {  	_ =	shalt  }
0x55: {  	_ =	shalt  }
0x56: {  	_ =	shalt  }
0x57: {  	_ =	shalt  }
0x58: {  	_ =	shalt  }
0x59: {  	_ =	shalt  }
0x5a: {  	_ =	shalt  }
0x5b: {  	_ =	shalt  }
0x5c: {  	_ =	shalt  }
0x5d: {  	_ =	shalt  }
0x5e: {  	_ =	shalt  }
0x5f: {  	_ =	shalt  }
0x60: {  	_ =	shalt  }
0x61: {  	_ =	shalt  }
0x62: {  	_ =	shalt  }
0x63: {  	_ =	shalt  }
0x64: {  	_ =	shalt  }
0x65: {  	_ =	shalt  }
0x66: {  	_ =	shalt  }
0x67: {  	_ =	shalt  }
0x68: {  	_ =	shalt  }
0x69: {  	_ =	shalt  }
0x6a: {  	_ =	shalt  }
0x6b: {  	_ =	shalt  }
0x6c: {  	_ =	shalt  }
0x6d: {  	_ =	shalt  }
0x6e: {  	_ =	shalt  }
0x6f: {  	_ =	shalt  }
0x70: {  	_ =	shalt  }
0x71: {  	_ =	shalt  }
0x72: {  	_ =	shalt  }
0x73: {  	_ =	shalt  }
0x74: {  	_ =	shalt  }
0x75: {  	_ =	shalt  }
0x76: {  	_ =	shalt  }
0x77: {  	_ =	shalt  }
0x78: {  	_ =	shalt  }
0x79: {  	_ =	shalt  }
0x7a: {  	_ =	shalt  }
0x7b: {  	_ =	shalt  }
0x7c: {  	_ =	shalt  }
0x7d: {  	_ =	shalt  }
0x7e: {  	_ =	shalt  }
0x7f: {  	_ =	shalt  }
0x80: {  	_ =	shalt  }
0x81: {  	_ =	shalt  }
0x82: {  	_ =	shalt  }
0x83: {  	_ =	shalt  }
0x84: {  	_ =	shalt  }
0x85: {  	_ =	shalt  }
0x86: {  	_ =	shalt  }
0x87: {  	_ =	shalt  }
.Lfunc_end0:
.L_simem_size_0:
called_computation.2_lowered:
.L_overlay_start_0:
0x88: {  	s2 =	sld [smem:$0x3FD9]  }
0x89: {  	s3 =	sld [smem:$0x3FFE];
	_ =	sdelay $0x1  }
0x8a: {  	s1 =	srdreg.scid  }
0x8b: {  	s0 =	sand.u32 $0x1, s1  }
0x8c: {  	s16 =	sshll.u32 s0, $0xA;
	s2 =	sadd.s32 s3, s2  }
0x8d: {  	s2 =	sadd.s32 s2, s16  }
0x8e: {  	[smem:$0x3FB9] =	sst s2  }
0x8f: {  	_ = 	snop  }
0x90: {  	(tm) =	ssettm $0x1  }
0x91: {  	s17 =	sld [smem:$0x3FFB];
	_ =	sdelay $0x3  }
0x92: {  	_ =	strace s17  }
0x93: {  	s2 =	sld [smem:$0x3FFC];
	_ =	sdelay $0x3  }
0x94: {  	_ =	strace s2  }
0x95: {  	s2 =	sld [smem:$0x3FFD];
	_ =	sdelay $0x3  }
0x96: {  	_ =	strace s2  }
0x97: {  	_ =	strace $0x8FFFFFFF  }
0x98: {  	s18 =	sld [smem:$0x3FDB];
	_ =	sdelay $0x1  }
0x99: {  	s19 =	simm.s32 $_scs_section_size  }
0x9a: {  	s4 =	simm.s32 $_size__tile_overlayer_lowered;
	s5 =	simm.s32 $_tile_overlayer_lowered  }
0x9b: {  	s22 =	simm.s32 $0x1BFF;
	s21 =	sshll.u32 s5, $0x1;
	s2 =	sadd.s32 s19, s18  }
0x9c: {  	s6 =	simm.s32 $0x0;
	s20 =	sshll.u32 s4, $0x1;
	s4 =	sadd.s32 s21, s2  }
0x9d: {  	[timem:s6], [sflag:s22] =	dma.local [hbm:s4], s20  }
0x9e: {  	_ =	swait.ge [sflag:s22], s20  }
0x9f: {  	s3 =	ssub.s32 $0x0, s20;
	[sflag:s22] =	ssyncset.done $0x0  }
0xa0: {  	[sflag:s22] =	ssyncadd.s32 s3;
	_ =	sdelay $0x1  }
0xa1: {  	s23 =	simm.s32 $0x1B8B  }
0xa2: {  	_ =	swait.ge [sflag:s23], $0x1  }
0xa3: {  	[sflag:s23] =	ssyncset.done $0x0  }
0xa4: {  	s25 =	simm.s32 $0x1B8E;
	s24 =	sld [smem:$0x3FFE];
	[sflag:s23] =	ssyncadd.s32 $0xFFFFFFFF  }
0xa5: {  	s26 =	simm.s32 $execute0_lowered;
	[smem:$0x3FD2] =	sst s25  }
0xa6: {  	s4 =	sshll.u32 s26, $0x1;
	_ =	strace $0x8000004C;
	[dreg:$0x1] =	wrdreg $0xFFFFFFFF  }
0xa7: {  	s28 =	simm.s32 $_size_execute0_lowered;
	s2 =	sadd.s32 s2, s4;
	[dreg:$0x0] =	wrdreg $0x0  }
0xa8: {  	s4 =	sshll.u32 s28, $0x1;
	[dreg:$0x2] =	wrdreg s2  }
0xa9: {  	[dreg:$0x3] =	wrdreg s4  }
0xaa: {  	[dreg:$0x4] =	wrdreg $0xC0  }
0xab: {  	_ =	task [dreg:s6], $0x5FFFF  }
0xac: {  	[dreg:$0x1] =	wrdreg $0xFFFFFFFF  }
0xad: {  	[dreg:$0x0] =	wrdreg $0x60  }
0xae: {  	[dreg:$0x2] =	wrdreg s24  }
0xaf: {  	[dreg:$0x3] =	wrdreg $0x91000  }
0xb0: {  	[dreg:$0x4] =	wrdreg $0x9  }
0xb1: {  	_ =	task.clear_ibuf [dreg:s6], $0x5FFFF;
	_ =	strace $0x9000004C  }
0xb2: {  	s29 =	simm.s32 $0x9;
	_ =	strace $0x8000004E  }
0xb3: {  	_ =	swait.ge [sflag:s29], $0x1  }
0xb4: {  	[sflag:s29] =	ssyncadd.s32 $0xFFFFFFFF  }
0xb5: {  	_ =	strace $0x9000004E  }
0xb6: {  	_ =	sfence  }
0xb7: {  	s30 =	sld [smem:$0x0];
	_ =	sdelay $0x2  }
0xb8: {  	s31 =	sshll.u32 s1, $0xD;
	s1 =	sshrl.u32 s1, $0x2  }
0xb9: {  	s3 =	sand.u32 $0x4000, s31;
	s1 =	sadd.s32 s1, s30  }
0xba: {  	s0 =	sor.u32 s3, s0;
	s1 =	sshll.u32 s1, $0x11  }
0xbb: {  	s0 =	sor.u32 s1, s0  }
0xbc: {  	s0 =	sadd.s32 $0x8F2B, s0  }
0xbd: {  	[sflag:s0] =	ssyncadd.remote.s32 $0x1  }
0xbe: {  	_ =	sfence.sel $0xFFFF  }
0xbf: {  	[dreg:$0x0] =	wrdreg $0xFFFFFFFF;
	(pc) =	sbr.abs _section_cstart, $3  }
0xc0: {  	[dreg:$0x1] =	wrdreg $0xFFFFFFFF  }
0xc1: {  	_ =	task.clear_ibuf [dreg:s6], $0x2FFFF;
	_ =	strace $0x9FFFFFFF  }
0xc2: {  	(tm) =	ssettm $0x7FFFFFFF  }
0xc3: {  	_ =	shalt  }
tec
execute0_lowered:
.L_overlay_start_1:
0x0: {  	(tag) =	ssettag $0x1  }
0x1: {  	s0 =	rddreg [dreg:$0x0]  }
0x2: {  	s2 =	rddreg [dreg:$0x1];
	s3 =	simm.s32 $0x0;
	s1 =	srdreg.scid  }
0x3: {  	s14 =	stileid.u32;
	s29 =	simm.s32 $0x3;
	s30 =	simm.s32 $0x50  }
0x4: {  	s31 =	simm.s32 $0x4100;
	[smem:$0x7FF] =	sst s3;
	s8 =	smul.u32 $0x280, s14  }
0x5: {  	s1 =	sand.u32 $0x1, s1;
	s4 =	sshll.u32 s14, $0x1;
	s11 =	smul.u32 $0x50000, s14  }
0x6: {  	s5 =	sadd.s32 $0x3800, s0;
	s18 =	smul.u32 $0x4E20, s14;
	_ =	strace $0x8000004D  }
0x7: {  	s7 =	sor.u32 s1, s4;
	s4 =	sadd.s32 $0x1DC00, s0;
	s9 =	smul.u32 $0x2800, s1  }
0x8: {  	s15 =	ssub.s32 $0x2, s1;
	s1 =	smul.u32 $0x2710, s1;
	s6 =	sshll.u32 s7, $0xB  }
0x9: {  	s12 =	sshrl.u32 s15, $0x1;
	s7 =	smul.u32 $0x2710, s7;
	s16 =	sshrl.u32 s11, $0x2  }
0xa: {  	s10 =	sadd.s32 s6, s0;
	s6 =	sadd.s32 $0x1D600, s0;
	s8 =	sadd.s32 s9, s8  }
0xb: {  	s9 =	ssub.s32 s15, s12;
	s1 =	sadd.s32 s1, s18;
	s8 =	sshll.u32 s8, $0x4  }
0xc: {  	s10 =	sadd.s32 $0xD600, s10;
	s7 =	sshrl.u32 s7, $0x3;
	s17 =	smax.u32 s9, $0x1  }
0xd: {  	s25 =	sadd.s32 $0x50, s1;
	s9 =	simm.s32 $0x2;
	s0 =	sadd.s32 s8, s0  }
0xe: {  	[dreg:$0x3] =	wrdreg s10;
	s8 =	sadd.s32 s16, s2;
	s7 =	sadd.s32 s5, s7  }
0xf: {  	[dreg:$0x5] =	wrdreg s17;
	s26 =	sshrl.u32 s25, $0x3;
	s10 =	simm.s32 $0x0  }
0x10: {  	[dreg:$0x4] =	wrdreg s7;
	s11 =	sadd.s32 $0x2800, s8;
	s12 =	sadd.s32 $0x5000, s8  }
0x11: {  	s13 =	sadd.s32 $0x7800, s8;
	s14 =	sadd.s32 $0xA000, s8;
	s19 =	sadd.s32 $0x44E00, s0  }
0x12: {  	s15 =	sadd.s32 $0xC800, s8;
	s20 =	sadd.s32 $0x45300, s0;
	[dreg:$0x6] =	wrdreg s19  }
0x13: {  	s21 =	sadd.s32 $0x45800, s0;
	s22 =	sadd.s32 $0x45D00, s0;
	[dreg:$0x7] =	wrdreg s20  }
0x14: {  	s23 =	sadd.s32 $0x46200, s0;
	s24 =	sadd.s32 $0x46700, s0;
	[dreg:$0x8] =	wrdreg s21  }
0x15: {  	s25 =	sadd.s32 s26, s5;
	s26 =	sadd.s32 $0xF000, s8;
	[dreg:$0x9] =	wrdreg s22  }
0x16: {  	s28 =	sadd.s32 $0x11800, s8;
	s7 =	simm.s32 $0x1;
	[dreg:$0xa] =	wrdreg s23  }
0x17: {  	[dreg:$0xb] =	wrdreg s24;
	s22 =	sadd.s32 $0x46C00, s0;
	s23 =	sadd.s32 $0x47100, s0  }
0x18: {  	s24 =	sadd.s32 $0xA0, s1;
	s0 =	simm.s32 $0x80;
	s1 =	simm.s32 $0x6900  }
.LBB2_1:
0x19: {  	s16 =	simm.s32 $0x100;
	s17 =	rddreg [dreg:$0x3]  }
0x1a: {  	[tilespmem:s16], [sflag:$0x3] =	stream.linear.gather [hbm4b:s17+s3], $0x3E80, $0x38;
	[tilespmem:$0x1D100] =	vst v63  }
0x1b: {  	s20 =	stileid.u32;
	_ =	swait.ge [sflag:s29], $0x3E80  }
0x1c: {  	s17 =	sshll.u32 s20, $0x6;
	[sflag:s29] =	ssyncset.done $0x0  }
0x1d: {  	s18 =	sshrl.u32 s8, $0x3;
	s17 =	sor.u32 $0x1C03, s17;
	[sflag:s29] =	ssyncadd.s32 $0xFFFFC180  }
0x1e: {  	[spmem:s18], [sflag:s17] =	dma.local [hbm:s6], $0x500  }
0x1f: {  	_ =	swait.ge [sflag:s29], $0x500  }
0x20: {  	[sflag:s29] =	ssyncset.done $0x0  }
0x21: {  	s21 =	sshrl.u32 s11, $0x3;
	[sflag:s29] =	ssyncadd.s32 $0xFFFFFB00  }
0x22: {  	[spmem:s21], [sflag:s17] =	dma.local [hbm:s6], $0x500  }
0x23: {  	_ =	swait.ge [sflag:s29], $0x500  }
0x24: {  	[sflag:s29] =	ssyncset.done $0x0  }
0x25: {  	s19 =	sshrl.u32 s12, $0x3;
	[sflag:s29] =	ssyncadd.s32 $0xFFFFFB00  }
0x26: {  	[spmem:s19], [sflag:s17] =	dma.local [hbm:s6], $0x500  }
0x27: {  	_ =	swait.ge [sflag:s29], $0x500  }
0x28: {  	[sflag:s29] =	ssyncset.done $0x0  }
0x29: {  	s20 =	sshrl.u32 s13, $0x3;
	[sflag:s29] =	ssyncadd.s32 $0xFFFFFB00  }
0x2a: {  	[spmem:s20], [sflag:s17] =	dma.local [hbm:s6], $0x500  }
0x2b: {  	_ =	swait.ge [sflag:s29], $0x500  }
0x2c: {  	[sflag:s29] =	ssyncset.done $0x0  }
0x2d: {  	s21 =	sshrl.u32 s14, $0x3;
	[sflag:s29] =	ssyncadd.s32 $0xFFFFFB00  }
0x2e: {  	[spmem:s21], [sflag:s17] =	dma.local [hbm:s6], $0x500  }
0x2f: {  	_ =	swait.ge [sflag:s29], $0x500  }
0x30: {  	[sflag:s29] =	ssyncset.done $0x0  }
0x31: {  	s19 =	sshrl.u32 s15, $0x3;
	[sflag:s29] =	ssyncadd.s32 $0xFFFFFB00  }
0x32: {  	[spmem:s19], [sflag:s17] =	dma.local [hbm:s6], $0x500  }
0x33: {  	_ =	swait.ge [sflag:s29], $0x500  }
0x34: {  	[sflag:s29] =	ssyncset.done $0x0  }
0x35: {  	s20 =	sshrl.u32 s26, $0x3;
	[sflag:s29] =	ssyncadd.s32 $0xFFFFFB00  }
0x36: {  	[spmem:s20], [sflag:s17] =	dma.local [hbm:s6], $0x500  }
0x37: {  	_ =	swait.ge [sflag:s29], $0x500  }
0x38: {  	[sflag:s29] =	ssyncset.done $0x0  }
0x39: {  	s21 =	sshrl.u32 s28, $0x3;
	[sflag:s29] =	ssyncadd.s32 $0xFFFFFB00  }
0x3a: {  	[spmem:s21], [sflag:s17] =	dma.local [hbm:s6], $0x500  }
0x3b: {  	_ =	swait.ge [sflag:s29], $0x500  }
0x3c: {  	[sflag:s29] =	ssyncset.done $0x0  }
0x3d: {  	[sflag:s29] =	ssyncadd.s32 $0xFFFFFB00  }
0x3e: {  	[bflag:$0x0] =	sbarrier.arrive $0xFFFF  }
0x3f: {  	s18 =	rddreg [dreg:$0x4]  }
0x40: {  	[tilespmem:s3], [sflag:$0x3] =	stream.linear.gather [hbm4b:s18+s3], $0x50, $0x38;
	[tilespmem:$0x1D100] =	vst v63  }
0x41: {  	_ =	swait.ge [sflag:s29], $0x50  }
0x42: {  	[sflag:s29] =	ssyncset.done $0x0  }
0x43: {  	[sflag:s29] =	ssyncadd.s32 $0xFFFFFFB0  }
0x44: {  	[tilespmem:s31], [sflag:$0x1] =	stream.indirect.gather [hbm4b:s4+s30], $0x80, s3, s30, $0xb8;
	[tilespmem:$0x1D100] =	vst v63  }
0x45: {  	s19 =	sadd.s32 $0x0, s25  }
0x46: {  	[tilespmem:s0], [sflag:$0x3] =	stream.linear.gather [hbm4b:s19+s3], $0x50, $0x38;
	[tilespmem:$0x1D100] =	vst v63  }
0x47: {  	_ =	swait.ge [sflag:s29], $0x50  }
0x48: {  	[sflag:s29] =	ssyncset.done $0x0  }
0x49: {  	[sflag:s29] =	ssyncadd.s32 $0xFFFFFFB0  }
0x4a: {  	[tilespmem:s1], [sflag:$0x2] =	stream.indirect.gather [hbm4b:s4+s30], $0x80, s0, s30, $0xb8;
	[tilespmem:$0x1D100] =	vst v63  }
0x4b: {  	_ =	swait.ge [sflag:s7], $0x2800  }
0x4c: {  	[sflag:s7] =	ssyncset.done $0x0  }
0x4d: {  	[sflag:s7] =	ssyncadd.s32 $0xFFFFD800  }
0x4e: {  	[spmem:s2] =	stream.indirect.scatter.add.f32 [tilespmem:s31], [sflag:$0x3], $0x80, s16, s30, $0xb8;
	[tilespmem:$0x1D100] =	vst v63  }
0x4f: {  	_ =	swait.ge [sflag:s29], $0x2800  }
0x50: {  	s20 =	sshrl.u32 s24, $0x3;
	[sflag:s29] =	ssyncset.done $0x0  }
0x51: {  	s16 =	sadd.s32 s5, s20;
	[sflag:s29] =	ssyncadd.s32 $0xFFFFD800  }
0x52: {  	[tilespmem:s3], [sflag:$0x3] =	stream.linear.gather [hbm4b:s16+s3], $0x50, $0x38;
	[tilespmem:$0x1D100] =	vst v63  }
0x53: {  	_ =	swait.ge [sflag:s29], $0x50  }
0x54: {  	[sflag:s29] =	ssyncset.done $0x0  }
0x55: {  	[sflag:s29] =	ssyncadd.s32 $0xFFFFFFB0  }
0x56: {  	[tilespmem:s31], [sflag:$0x1] =	stream.indirect.gather [hbm4b:s4+s30], $0x80, s3, s30, $0xb8;
	[tilespmem:$0x1D100] =	vst v63  }
0x57: {  	_ =	swait.ge [sflag:s9], $0x2800  }
0x58: {  	[sflag:s9] =	ssyncset.done $0x0  }
0x59: {  	s21 =	simm.s32 $0x180;
	[sflag:s9] =	ssyncadd.s32 $0xFFFFD800  }
0x5a: {  	[spmem:s2] =	stream.indirect.scatter.add.f32 [tilespmem:s1], [sflag:$0x3], $0x80, s21, s30, $0xb8;
	[tilespmem:$0x1D100] =	vst v63  }
0x5b: {  	s17 =	sadd.s32 $0xA0, s24;
	s18 =	simm.s32 $0x14;
	_ =	swait.ge [sflag:s29], $0x2800  }
0x5c: {  	s19 =	simm.s32 $0x28;
	s16 =	simm.s32 $0x200;
	[sflag:s29] =	ssyncset.done $0x0  }
.LBB2_2:
0x5d: {  	s20 =	sadd.s32 s18, s25  }
0x5e: {  	[sflag:s29] =	ssyncadd.s32 $0xFFFFD800;
	s18 =	smov.u32 s19;
	s21 =	sadd.s32 $0x14, s19  }
0x5f: {  	[tilespmem:s0], [sflag:$0x3] =	stream.linear.gather [hbm4b:s20+s3], $0x50, $0x38;
	[tilespmem:$0x1D100] =	vst v63  }
0x60: {  	p0 =	sne.s32 s19, $0x4C4;
	_ =	swait.ge [sflag:s29], $0x50  }
0x61: {  	[sflag:s29] =	ssyncset.done $0x0  }
0x62: {  	[sflag:s29] =	ssyncadd.s32 $0xFFFFFFB0  }
0x63: {  	[tilespmem:s1], [sflag:$0x2] =	stream.indirect.gather [hbm4b:s4+s30], $0x80, s0, s30, $0xb8;
	[tilespmem:$0x1D100] =	vst v63  }
0x64: {  	_ =	swait.ge [sflag:s7], $0x2800  }
0x65: {  	[sflag:s7] =	ssyncset.done $0x0  }
0x66: {  	[sflag:s7] =	ssyncadd.s32 $0xFFFFD800  }
0x67: {  	[spmem:s2] =	stream.indirect.scatter.add.f32 [tilespmem:s31], [sflag:$0x3], $0x80, s16, s30, $0xb8;
	[tilespmem:$0x1D100] =	vst v63  }
0x68: {  	_ =	swait.ge [sflag:s29], $0x2800  }
0x69: {  	s19 =	sshrl.u32 s17, $0x3;
	[sflag:s29] =	ssyncset.done $0x0  }
0x6a: {  	s19 =	sadd.s32 s5, s19;
	[sflag:s29] =	ssyncadd.s32 $0xFFFFD800  }
0x6b: {  	[tilespmem:s3], [sflag:$0x3] =	stream.linear.gather [hbm4b:s19+s3], $0x50, $0x38;
	[tilespmem:$0x1D100] =	vst v63  }
0x6c: {  	_ =	swait.ge [sflag:s29], $0x50  }
0x6d: {  	[sflag:s29] =	ssyncset.done $0x0  }
0x6e: {  	[sflag:s29] =	ssyncadd.s32 $0xFFFFFFB0  }
0x6f: {  	[tilespmem:s31], [sflag:$0x1] =	stream.indirect.gather [hbm4b:s4+s30], $0x80, s3, s30, $0xb8;
	[tilespmem:$0x1D100] =	vst v63  }
0x70: {  	_ =	swait.ge [sflag:s9], $0x2800  }
.Ltmp0:
0x71: {  	[sflag:s9] =	ssyncset.done $0x0;
	(pc) =	sbr.rel @p0 .LBB2_2-.Ltmp0, $4  }
0x72: {  	s19 =	sadd.s32 $0x80, s16;
	[sflag:s9] =	ssyncadd.s32 $0xFFFFD800  }
0x73: {  	[spmem:s2] =	stream.indirect.scatter.add.f32 [tilespmem:s1], [sflag:$0x3], $0x80, s19, s30, $0xb8;
	[tilespmem:$0x1D100] =	vst v63  }
0x74: {  	s17 =	sadd.s32 $0xA0, s17;
	_ =	swait.ge [sflag:s29], $0x2800  }
0x75: {  	s16 =	sadd.s32 $0x100, s16;
	s19 =	smov.u32 s21;
	[sflag:s29] =	ssyncset.done $0x0  }
0x76: {  	s18 =	sadd.s32 s18, s25;
	[sflag:s29] =	ssyncadd.s32 $0xFFFFD800  }
0x77: {  	[tilespmem:s0], [sflag:$0x3] =	stream.linear.gather [hbm4b:s18+s3], $0x50, $0x38;
	[tilespmem:$0x1D100] =	vst v63  }
0x78: {  	_ =	swait.ge [sflag:s29], $0x50  }
0x79: {  	[sflag:s29] =	ssyncset.done $0x0  }
0x7a: {  	[sflag:s29] =	ssyncadd.s32 $0xFFFFFFB0  }
0x7b: {  	[tilespmem:s1], [sflag:$0x2] =	stream.indirect.gather [hbm4b:s4+s30], $0x80, s0, s30, $0xb8;
	[tilespmem:$0x1D100] =	vst v63  }
0x7c: {  	_ =	swait.ge [sflag:s7], $0x2800  }
0x7d: {  	[sflag:s7] =	ssyncset.done $0x0  }
0x7e: {  	[sflag:s7] =	ssyncadd.s32 $0xFFFFD800  }
0x7f: {  	[spmem:s2] =	stream.indirect.scatter.add.f32 [tilespmem:s31], [sflag:$0x3], $0x80, s16, s30, $0xb8;
	[tilespmem:$0x1D100] =	vst v63  }
0x80: {  	_ =	swait.ge [sflag:s29], $0x2800  }
0x81: {  	s17 =	sshrl.u32 s17, $0x3;
	[sflag:s29] =	ssyncset.done $0x0  }
0x82: {  	s17 =	sadd.s32 s5, s17;
	[sflag:s29] =	ssyncadd.s32 $0xFFFFD800  }
0x83: {  	[tilespmem:s3], [sflag:$0x3] =	stream.linear.gather [hbm4b:s17+s3], $0x50, $0x38;
	[tilespmem:$0x1D100] =	vst v63  }
0x84: {  	_ =	swait.ge [sflag:s29], $0x50  }
0x85: {  	[sflag:s29] =	ssyncset.done $0x0  }
0x86: {  	[sflag:s29] =	ssyncadd.s32 $0xFFFFFFB0  }
0x87: {  	[tilespmem:s31], [sflag:$0x1] =	stream.indirect.gather [hbm4b:s4+s30], $0x80, s3, s30, $0xb8;
	[tilespmem:$0x1D100] =	vst v63  }
0x88: {  	_ =	swait.ge [sflag:s9], $0x2800  }
0x89: {  	[sflag:s9] =	ssyncset.done $0x0  }
0x8a: {  	s18 =	sadd.s32 $0x80, s16;
	[sflag:s9] =	ssyncadd.s32 $0xFFFFD800  }
0x8b: {  	[spmem:s2] =	stream.indirect.scatter.add.f32 [tilespmem:s1], [sflag:$0x3], $0x80, s18, s30, $0xb8;
	[tilespmem:$0x1D100] =	vst v63  }
0x8c: {  	_ =	swait.ge [sflag:s29], $0x2800  }
0x8d: {  	[sflag:s29] =	ssyncset.done $0x0  }
0x8e: {  	[sflag:s29] =	ssyncadd.s32 $0xFFFFD800  }
0x8f: {  	_ =	swait.ge [sflag:s7], $0x2800  }
0x90: {  	[sflag:s7] =	ssyncset.done $0x0  }
0x91: {  	s19 =	simm.s32 $0x3F00;
	[sflag:s7] =	ssyncadd.s32 $0xFFFFD800  }
0x92: {  	[spmem:s2] =	stream.indirect.scatter.add.f32 [tilespmem:s31], [sflag:$0x3], $0x80, s19, s30, $0xb8;
	[tilespmem:$0x1D100] =	vst v63  }
0x93: {  	_ =	swait.ge [sflag:s29], $0x2800  }
0x94: {  	[sflag:s29] =	ssyncset.done $0x0  }
0x95: {  	[sflag:s29] =	ssyncadd.s32 $0xFFFFD800  }
0x96: {  	[bflag:$0x0] =	sbarrier.arrive $0xFFFF  }
0x97: {  	[tilespmem:s31], [sflag:$0x3] =	stream.linear.gather [spmem:s8], $0x2800, $0x38;
	[tilespmem:$0x1D100] =	vst v63  }
0x98: {  	_ =	swait.ge [sflag:s29], $0x2800  }
0x99: {  	[sflag:s29] =	ssyncset.done $0x0  }
0x9a: {  	s20 =	rddreg [dreg:$0x6];
	[sflag:s29] =	ssyncadd.s32 $0xFFFFD800  }
0x9b: {  	[hbm4b:s20+s3] =	stream.linear.scatter [tilespmem:s31], [sflag:$0x3], $0x2800, $0x38;
	[tilespmem:$0x1D100] =	vst v63  }
0x9c: {  	_ =	swait.ge [sflag:s29], $0x2800  }
0x9d: {  	[sflag:s29] =	ssyncset.done $0x0  }
0x9e: {  	[sflag:s29] =	ssyncadd.s32 $0xFFFFD800  }
0x9f: {  	[tilespmem:s31], [sflag:$0x3] =	stream.linear.gather [spmem:s11], $0x2800, $0x38;
	[tilespmem:$0x1D100] =	vst v63  }
0xa0: {  	_ =	swait.ge [sflag:s29], $0x2800  }
0xa1: {  	[sflag:s29] =	ssyncset.done $0x0  }
0xa2: {  	s21 =	rddreg [dreg:$0x7];
	[sflag:s29] =	ssyncadd.s32 $0xFFFFD800  }
0xa3: {  	[hbm4b:s21+s3] =	stream.linear.scatter [tilespmem:s31], [sflag:$0x3], $0x2800, $0x38;
	[tilespmem:$0x1D100] =	vst v63  }
0xa4: {  	_ =	swait.ge [sflag:s29], $0x2800  }
0xa5: {  	[sflag:s29] =	ssyncset.done $0x0  }
0xa6: {  	[sflag:s29] =	ssyncadd.s32 $0xFFFFD800  }
0xa7: {  	[tilespmem:s31], [sflag:$0x3] =	stream.linear.gather [spmem:s12], $0x2800, $0x38;
	[tilespmem:$0x1D100] =	vst v63  }
0xa8: {  	_ =	swait.ge [sflag:s29], $0x2800  }
0xa9: {  	[sflag:s29] =	ssyncset.done $0x0  }
0xaa: {  	s17 =	rddreg [dreg:$0x8];
	[sflag:s29] =	ssyncadd.s32 $0xFFFFD800  }
0xab: {  	[hbm4b:s17+s3] =	stream.linear.scatter [tilespmem:s31], [sflag:$0x3], $0x2800, $0x38;
	[tilespmem:$0x1D100] =	vst v63  }
0xac: {  	_ =	swait.ge [sflag:s29], $0x2800  }
0xad: {  	[sflag:s29] =	ssyncset.done $0x0  }
0xae: {  	[sflag:s29] =	ssyncadd.s32 $0xFFFFD800  }
0xaf: {  	[tilespmem:s31], [sflag:$0x3] =	stream.linear.gather [spmem:s13], $0x2800, $0x38;
	[tilespmem:$0x1D100] =	vst v63  }
0xb0: {  	_ =	swait.ge [sflag:s29], $0x2800  }
0xb1: {  	[sflag:s29] =	ssyncset.done $0x0  }
0xb2: {  	s18 =	rddreg [dreg:$0x9];
	[sflag:s29] =	ssyncadd.s32 $0xFFFFD800  }
0xb3: {  	[hbm4b:s18+s3] =	stream.linear.scatter [tilespmem:s31], [sflag:$0x3], $0x2800, $0x38;
	[tilespmem:$0x1D100] =	vst v63  }
0xb4: {  	_ =	swait.ge [sflag:s29], $0x2800  }
0xb5: {  	[sflag:s29] =	ssyncset.done $0x0  }
0xb6: {  	[sflag:s29] =	ssyncadd.s32 $0xFFFFD800  }
0xb7: {  	[tilespmem:s31], [sflag:$0x3] =	stream.linear.gather [spmem:s14], $0x2800, $0x38;
	[tilespmem:$0x1D100] =	vst v63  }
0xb8: {  	_ =	swait.ge [sflag:s29], $0x2800  }
0xb9: {  	[sflag:s29] =	ssyncset.done $0x0  }
0xba: {  	s19 =	rddreg [dreg:$0xa];
	[sflag:s29] =	ssyncadd.s32 $0xFFFFD800  }
0xbb: {  	[hbm4b:s19+s3] =	stream.linear.scatter [tilespmem:s31], [sflag:$0x3], $0x2800, $0x38;
	[tilespmem:$0x1D100] =	vst v63  }
0xbc: {  	_ =	swait.ge [sflag:s29], $0x2800  }
0xbd: {  	[sflag:s29] =	ssyncset.done $0x0  }
0xbe: {  	[sflag:s29] =	ssyncadd.s32 $0xFFFFD800  }
0xbf: {  	[tilespmem:s31], [sflag:$0x3] =	stream.linear.gather [spmem:s15], $0x2800, $0x38;
	[tilespmem:$0x1D100] =	vst v63  }
0xc0: {  	_ =	swait.ge [sflag:s29], $0x2800  }
0xc1: {  	[sflag:s29] =	ssyncset.done $0x0  }
0xc2: {  	s20 =	rddreg [dreg:$0xb];
	[sflag:s29] =	ssyncadd.s32 $0xFFFFD800  }
0xc3: {  	[hbm4b:s20+s3] =	stream.linear.scatter [tilespmem:s31], [sflag:$0x3], $0x2800, $0x38;
	[tilespmem:$0x1D100] =	vst v63  }
0xc4: {  	_ =	swait.ge [sflag:s29], $0x2800  }
0xc5: {  	[sflag:s29] =	ssyncset.done $0x0  }
0xc6: {  	[sflag:s29] =	ssyncadd.s32 $0xFFFFD800  }
0xc7: {  	[tilespmem:s31], [sflag:$0x3] =	stream.linear.gather [spmem:s26], $0x2800, $0x38;
	[tilespmem:$0x1D100] =	vst v63  }
0xc8: {  	_ =	swait.ge [sflag:s29], $0x2800  }
0xc9: {  	[sflag:s29] =	ssyncset.done $0x0  }
0xca: {  	[sflag:s29] =	ssyncadd.s32 $0xFFFFD800  }
0xcb: {  	[hbm4b:s22+s3] =	stream.linear.scatter [tilespmem:s31], [sflag:$0x3], $0x2800, $0x38;
	[tilespmem:$0x1D100] =	vst v63  }
0xcc: {  	_ =	swait.ge [sflag:s29], $0x2800  }
0xcd: {  	[sflag:s29] =	ssyncset.done $0x0  }
0xce: {  	[sflag:s29] =	ssyncadd.s32 $0xFFFFD800  }
0xcf: {  	[tilespmem:s31], [sflag:$0x3] =	stream.linear.gather [spmem:s28], $0x2800, $0x38;
	[tilespmem:$0x1D100] =	vst v63  }
0xd0: {  	_ =	swait.ge [sflag:s29], $0x2800  }
0xd1: {  	[sflag:s29] =	ssyncset.done $0x0  }
0xd2: {  	[sflag:s29] =	ssyncadd.s32 $0xFFFFD800  }
0xd3: {  	[hbm4b:s23+s3] =	stream.linear.scatter [tilespmem:s31], [sflag:$0x3], $0x2800, $0x38;
	[tilespmem:$0x1D100] =	vst v63  }
0xd4: {  	_ =	swait.ge [sflag:s29], $0x2800  }
0xd5: {  	s10 =	sadd.s32 $0x1, s10;
	s21 =	rddreg [dreg:$0x5]  }
0xd6: {  	p0 =	sne.s32 s10, s21  }
.Ltmp1:
0xd7: {  	_ = 	snop;
	(pc) =	sbr.rel @p0 .LBB2_1-.Ltmp1, $3  }
0xd8: {  	_ =	sdelay $0x1  }
0xd9: {  	[sflag:s29] =	ssyncset.done $0x0  }
0xda: {  	[sflag:s29] =	ssyncadd.s32 $0xFFFFD800  }
0xdb: {  	_ =	sfence.sel $0x180000  }
0xdc: {  	[bflag:$0x0] =	sbarrier.arrive $0xFFFF  }
0xdd: {  	_ =	strace $0x9000004D  }
0xde: {  	s0 =	stileid.u32;
	[bflag:$0x2] =	sbarrier.arrive $0xFFFF  }
0xdf: {  	p0 =	sne.s32 s0, $0x0;
	s0 =	rddreg [dreg:$0x2]  }
0xe0: {  	s0 =	sadd.s32 @!p0 $0x100000, s0  }
0xe1: {  	[sflag:s0] =	ssyncadd.tile.s32 @!p0 $0x1;
	_ =	shalt  }
.Lfunc_end2:
_tile_overlayer_lowered:
.L_overlay_start_2:
0xe2: {  	(tag) =	ssettag $0x2  }
0xe3: {  	s0 =	rddreg [dreg:$0x0];
	s2 =	stileid.u32  }
0xe4: {  	s1 =	rddreg [dreg:$0x1];
	p0 =	sne.s32 s2, $0x0  }
0xe5: {  	s3 =	rddreg [dreg:$0x2];
	[bflag:$0x3] =	sbarrier.arrive $0xFFFF;
	s2 =	simm.s32 @!p0 $0x1C03  }
0xe6: {  	[timem:s3], [sflag:s2] =	dma.local @!p0 [hbm:s0], s1  }
0xe7: {  	s0 =	simm.s32 @!p0 $0x3  }
0xe8: {  	_ =	swait.ge @!p0 [sflag:s0], s1  }
0xe9: {  	s1 =	ssub.s32 @!p0 $0x0, s1;
	[sflag:s0] =	ssyncset.done @!p0 $0x0  }
0xea: {  	[sflag:s0] =	ssyncadd.s32 @!p0 s1  }
0xeb: {  	[bflag:$0x3] =	sbarrier.arrive $0xFFFF  }
0xec: {  	_ =	shalt  }

// kernel: kernel.8.cloned.1.call-start
scs
__scs_entry_jumppad:
0x0: {  	(pc) =	sbr.rel $0x88, $3  }
0x1: {  	(tag) =	ssettag $0x0;
	lr =	simm.s32 $0x1  }
0x2: {  	[smem:$0x3F92] =	sst lr;
	_ =	strace $0xD0000000  }
0x3: {  	_ = 	snop  }
0x4: {  	_ = 	snop  }
0x5: {  	_ = 	snop  }
0x6: {  	_ = 	snop  }
0x7: {  	_ = 	snop  }
__scs_overlays_trampoline_lowered:
0x8: {  	[smem:$0x3FA1] =	sst s0  }
0x9: {  	[smem:$0x3FA2] =	sst s1  }
0xa: {  	[smem:$0x3FA3] =	sst s2  }
0xb: {  	[smem:$0x3FA4] =	sst s3  }
0xc: {  	[smem:$0x3FA5] =	sst s4  }
0xd: {  	[smem:$0x3FA6] =	sst s5  }
0xe: {  	[smem:$0x3FA7] =	sst s6  }
0xf: {  	[smem:$0x3FA8] =	sst s7  }
0x10: {  	[smem:$0x3FA9] =	sst s8  }
0x11: {  	[smem:$0x3FAA] =	sst s9;
	s0 =	simm.s32 @!p0 $0x0  }
0x12: {  	s1 =	sld [smem:$0x3F90];
	s0 =	simm.s32 @p0 $0x1  }
0x13: {  	[smem:$0x3FAB] =	sst s0;
	s0 =	simm.s32 @!p1 $0x0  }
0x14: {  	s2 =	sld [smem:$0x3F8F];
	s0 =	simm.s32 @p1 $0x1  }
0x15: {  	[smem:$0x3FAC] =	sst s0;
	s0 =	simm.s32 @!p2 $0x0  }
0x16: {  	s3 =	sld [smem:$0x3FDB];
	s0 =	simm.s32 @p2 $0x1  }
0x17: {  	s4 =	simm.s32 $0x1BF5;
	[smem:$0x3FAE] =	sst s0  }
0x18: {  	s0 =	sld [smem:$0x3F91];
	_ =	swait.ge [sflag:s4], $0x0  }
0x19: {  	s7 =	sld [smem:$0x3F92]  }
0x1a: {  	s8 =	sadd.s32 $0xFFFFE003, lr  }
0x1b: {  	s9 =	sadd.s32 $0xFFFFFEF7, lr;
	s5 =	simm.s32 $0xFFFFFFFF;
	p2 =	slt.u32 s8, $0xFFFFF086  }
0x1c: {  	p1 =	slt.u32 s9, $0xF7A;
	s5 =	simm.s32 @!p2 $0x0  }
0x1d: {  	s5 =	simm.s32 @p1 $0x1;
	p0 =	seq.s32 s7, s2  }
0x1e: {  	s7 =	smul.u32 @!p0 $0xF7A, s2;
	p2 =	seq.s32 @!p0 s5, $0x0  }
0x1f: {  	s9 =	smul.u32 $0xF7A, s1;
	s8 =	simm.s32 @!p0 $0x1BF5;
	p2 =	por !p2, p0  }
0x20: {  	[sflag:s8] =	ssyncset.s32 @!p0 $0xFFFFF086;
	s6 =	sadd.s32 @!p0 s3, s7;
	s7 =	simm.s32 @!p0 $0x108  }
0x21: {  	s3 =	sadd.s32 s3, s9;
	s6 =	sadd.s32 @!p0 $0x88, s6;
	s7 =	simm.s32 @p2 $0x1082  }
0x22: {  	[simem:s7], [sflag:s8] =	dma.local @!p0 [hbm:s6], $0xF7A  }
0x23: {  	s9 =	sor.u32 $0xD0000000, s2;
	s6 =	simm.s32 $0x108;
	_ =	swait.ge @!p0 [sflag:s8], $0x0  }
0x24: {  	s3 =	sadd.s32 $0x88, s3;
	s6 =	simm.s32 @!p1 $0x1082;
	[sflag:s4] =	ssyncset.s32 $0xFFFFF086  }
0x25: {  	[simem:s6], [sflag:s4] =	dma.local [hbm:s3], $0xF7A  }
0x26: {  	[smem:$0x3F92] =	sst s1;
	(tag) =	ssettag s2;
	_ =	strace s9  }
0x27: {  	s1 =	sld [smem:$0x3FA2]  }
0x28: {  	s2 =	sld [smem:$0x3FA3]  }
0x29: {  	s4 =	sld [smem:$0x3FA5]  }
0x2a: {  	p0 =	seq.s32 s5, $0x0;
	s5 =	sld [smem:$0x3FA6]  }
0x2b: {  	s6 =	sld [smem:$0x3FA7]  }
0x2c: {  	s7 =	sld [smem:$0x3FA8]  }
0x2d: {  	s3 =	simm.s32 $0x108;
	s8 =	sld [smem:$0x3FA9]  }
0x2e: {  	s3 =	simm.s32 @!p0 $0x1082;
	s9 =	sld [smem:$0x3FAA]  }
0x2f: {  	lr =	sadd.s32 s0, s3;
	s0 =	sld [smem:$0x3FA1]  }
0x30: {  	s3 =	sld [smem:$0x3FA4]  }
0x31: {  	[smem:$0x3FAD] =	sst s10  }
0x32: {  	s10 =	sld [smem:$0x3FAB];
	_ =	sdelay $0x3  }
0x33: {  	p0 =	seq.s32 s10, $0x1;
	s10 =	sld [smem:$0x3FAD];
	_ =	sdelay $0x3  }
0x34: {  	[smem:$0x3FAD] =	sst s10  }
0x35: {  	s10 =	sld [smem:$0x3FAC];
	_ =	sdelay $0x3  }
0x36: {  	p1 =	seq.s32 s10, $0x1;
	s10 =	sld [smem:$0x3FAD];
	_ =	sdelay $0x3  }
0x37: {  	[smem:$0x3FAD] =	sst s10  }
0x38: {  	s10 =	sld [smem:$0x3FAE]  }
0x39: {  	_ = 	snop;
	(pc) =	sbr.ind lr, $3  }
0x3a: {  	_ = 	snop  }
0x3b: {  	_ = 	snop  }
0x3c: {  	p2 =	seq.s32 s10, $0x1;
	s10 =	sld [smem:$0x3FAD]  }
0x3d: {  	_ =	shalt  }
0x3e: {  	_ =	shalt  }
0x3f: {  	_ =	shalt  }
0x40: {  	_ =	shalt  }
0x41: {  	_ =	shalt  }
0x42: {  	_ =	shalt  }
0x43: {  	_ =	shalt  }
0x44: {  	_ =	shalt  }
0x45: {  	_ =	shalt  }
0x46: {  	_ =	shalt  }
0x47: {  	_ =	shalt  }
0x48: {  	_ =	shalt  }
0x49: {  	_ =	shalt  }
0x4a: {  	_ =	shalt  }
0x4b: {  	_ =	shalt  }
0x4c: {  	_ =	shalt  }
0x4d: {  	_ =	shalt  }
0x4e: {  	_ =	shalt  }
0x4f: {  	_ =	shalt  }
0x50: {  	_ =	shalt  }
0x51: {  	_ =	shalt  }
0x52: {  	_ =	shalt  }
0x53: {  	_ =	shalt  }
0x54: {  	_ =	shalt  }
0x55: {  	_ =	shalt  }
0x56: {  	_ =	shalt  }
0x57: {  	_ =	shalt  }
0x58: {  	_ =	shalt  }
0x59: {  	_ =	shalt  }
0x5a: {  	_ =	shalt  }
0x5b: {  	_ =	shalt  }
0x5c: {  	_ =	shalt  }
0x5d: {  	_ =	shalt  }
0x5e: {  	_ =	shalt  }
0x5f: {  	_ =	shalt  }
0x60: {  	_ =	shalt  }
0x61: {  	_ =	shalt  }
0x62: {  	_ =	shalt  }
0x63: {  	_ =	shalt  }
0x64: {  	_ =	shalt  }
0x65: {  	_ =	shalt  }
0x66: {  	_ =	shalt  }
0x67: {  	_ =	shalt  }
0x68: {  	_ =	shalt  }
0x69: {  	_ =	shalt  }
0x6a: {  	_ =	shalt  }
0x6b: {  	_ =	shalt  }
0x6c: {  	_ =	shalt  }
0x6d: {  	_ =	shalt  }
0x6e: {  	_ =	shalt  }
0x6f: {  	_ =	shalt  }
0x70: {  	_ =	shalt  }
0x71: {  	_ =	shalt  }
0x72: {  	_ =	shalt  }
0x73: {  	_ =	shalt  }
0x74: {  	_ =	shalt  }
0x75: {  	_ =	shalt  }
0x76: {  	_ =	shalt  }
0x77: {  	_ =	shalt  }
0x78: {  	_ =	shalt  }
0x79: {  	_ =	shalt  }
0x7a: {  	_ =	shalt  }
0x7b: {  	_ =	shalt  }
0x7c: {  	_ =	shalt  }
0x7d: {  	_ =	shalt  }
0x7e: {  	_ =	shalt  }
0x7f: {  	_ =	shalt  }
0x80: {  	_ =	shalt  }
0x81: {  	_ =	shalt  }
0x82: {  	_ =	shalt  }
0x83: {  	_ =	shalt  }
0x84: {  	_ =	shalt  }
0x85: {  	_ =	shalt  }
0x86: {  	_ =	shalt  }
0x87: {  	_ =	shalt  }
.Lfunc_end0:
.L_simem_size_0:
called_computation_lowered:
.L_overlay_start_0:
0x88: {  	s2 =	sld [smem:$0x3FD9]  }
0x89: {  	s3 =	sld [smem:$0x3FFE];
	_ =	sdelay $0x1  }
0x8a: {  	s1 =	srdreg.scid  }
0x8b: {  	s0 =	sand.u32 $0x1, s1  }
0x8c: {  	s14 =	sshll.u32 s0, $0xA;
	s2 =	sadd.s32 s3, s2  }
0x8d: {  	s2 =	sadd.s32 s2, s14  }
0x8e: {  	[smem:$0x3FB9] =	sst s2  }
0x8f: {  	_ = 	snop  }
0x90: {  	s2 =	sld [smem:$0x3FD0];
	_ =	sdelay $0x2  }
0x91: {  	s15 =	simm.s32 $0xA;
	s4 =	simm.s32 $0x10  }
0x92: {  	[smem:s4], [sflag:s15] =	dma.local [hbm:s2], $0x1  }
0x93: {  	_ =	swait.eq [sflag:s15], $0x1  }
0x94: {  	[sflag:s15] =	ssyncset.done $0x0  }
0x95: {  	[sflag:s15] =	ssyncadd.s32 $0xFFFFFFFF  }
0x96: {  	s16 =	sld [smem:$0x12];
	(tm) =	ssettm $0x1  }
0x97: {  	s17 =	sld [smem:$0x3FFB];
	_ =	sdelay $0x3  }
0x98: {  	_ =	strace s17  }
0x99: {  	s3 =	sld [smem:$0x3FFC];
	_ =	sdelay $0x3  }
0x9a: {  	_ =	strace s3  }
0x9b: {  	s3 =	sld [smem:$0x3FFD];
	_ =	sdelay $0x3  }
0x9c: {  	_ =	strace s3  }
0x9d: {  	_ =	strace $0x8FFFFFFF  }
0x9e: {  	s18 =	sld [smem:$0x3FDB];
	_ =	sdelay $0x1  }
0x9f: {  	s19 =	simm.s32 $_scs_section_size  }
0xa0: {  	s5 =	simm.s32 $_size__tile_overlayer_lowered;
	s6 =	simm.s32 $_tile_overlayer_lowered  }
0xa1: {  	s22 =	simm.s32 $0x1BFF;
	s21 =	sshll.u32 s6, $0x1;
	s3 =	sadd.s32 s19, s18  }
0xa2: {  	s7 =	simm.s32 $0x0;
	s20 =	sshll.u32 s5, $0x1;
	s5 =	sadd.s32 s21, s3  }
0xa3: {  	[timem:s7], [sflag:s22] =	dma.local [hbm:s5], s20  }
0xa4: {  	_ =	swait.ge [sflag:s22], s20  }
0xa5: {  	s4 =	ssub.s32 $0x0, s20;
	[sflag:s22] =	ssyncset.done $0x0  }
0xa6: {  	[sflag:s22] =	ssyncadd.s32 s4;
	_ =	sdelay $0x1  }
0xa7: {  	s23 =	simm.s32 $0x1B8B  }
0xa8: {  	_ =	swait.ge [sflag:s23], $0x1  }
0xa9: {  	[sflag:s23] =	ssyncset.done $0x0  }
0xaa: {  	s25 =	simm.s32 $0x1B8E;
	s24 =	sld [smem:$0x3FFE];
	[sflag:s23] =	ssyncadd.s32 $0xFFFFFFFF  }
0xab: {  	s26 =	simm.s32 $execute0_lowered;
	[smem:$0x3FD2] =	sst s25  }
0xac: {  	s5 =	sshll.u32 s26, $0x1;
	_ =	strace $0x80000046;
	[dreg:$0x1] =	wrdreg $0xFFFFFFFF  }
0xad: {  	s28 =	simm.s32 $_size_execute0_lowered;
	s3 =	sadd.s32 s3, s5;
	[dreg:$0x0] =	wrdreg $0x0  }
0xae: {  	s5 =	sshll.u32 s28, $0x1;
	[dreg:$0x2] =	wrdreg s3  }
0xaf: {  	[dreg:$0x3] =	wrdreg s5  }
0xb0: {  	[dreg:$0x4] =	wrdreg $0xC0  }
0xb1: {  	_ =	task [dreg:s7], $0x5FFFF  }
0xb2: {  	[dreg:$0x1] =	wrdreg $0xFFFFFFFF  }
0xb3: {  	[dreg:$0x0] =	wrdreg $0x60  }
0xb4: {  	[dreg:$0x2] =	wrdreg s24  }
0xb5: {  	[dreg:$0x3] =	wrdreg s16  }
0xb6: {  	[dreg:$0x4] =	wrdreg $0x68000  }
0xb7: {  	[dreg:$0x5] =	wrdreg $0x9  }
0xb8: {  	_ =	task.clear_ibuf [dreg:s7], $0x6FFFF;
	_ =	strace $0x90000046  }
0xb9: {  	s29 =	simm.s32 $0x9;
	_ =	strace $0x80000048  }
0xba: {  	_ =	swait.ge [sflag:s29], $0x1  }
0xbb: {  	[sflag:s29] =	ssyncadd.s32 $0xFFFFFFFF  }
0xbc: {  	_ =	strace $0x90000048  }
0xbd: {  	_ =	sfence  }
0xbe: {  	s30 =	sld [smem:$0x0];
	_ =	sdelay $0x2  }
0xbf: {  	s31 =	sshll.u32 s1, $0xD;
	s1 =	sshrl.u32 s1, $0x2  }
0xc0: {  	s3 =	sand.u32 $0x4000, s31;
	s1 =	sadd.s32 s1, s30  }
0xc1: {  	s0 =	sor.u32 s3, s0;
	s1 =	sshll.u32 s1, $0x11  }
0xc2: {  	s0 =	sor.u32 s1, s0  }
0xc3: {  	s0 =	sadd.s32 $0x8F2B, s0  }
0xc4: {  	[sflag:s0] =	ssyncadd.remote.s32 $0x1  }
0xc5: {  	_ =	sfence.sel $0xFFFF  }
0xc6: {  	[dreg:$0x0] =	wrdreg $0xFFFFFFFF;
	(pc) =	sbr.abs _section_cstart, $3  }
0xc7: {  	[dreg:$0x1] =	wrdreg $0xFFFFFFFF  }
0xc8: {  	_ =	task.clear_ibuf [dreg:s7], $0x2FFFF;
	_ =	strace $0x9FFFFFFF  }
0xc9: {  	(tm) =	ssettm $0x7FFFFFFF  }
tec
execute0_lowered:
.L_overlay_start_1:
0x0: {  	(tag) =	ssettag $0x1  }
0x1: {  	s6 =	rddreg [dreg:$0x0]  }
0x2: {  	s2 =	rddreg [dreg:$0x1]  }
0x3: {  	s1 =	srdreg.scid;
	s0 =	stileid.u32  }
0x4: {  	s3 =	rddreg [dreg:$0x2];
	s4 =	simm.s32 $0x0;
	s28 =	simm.s32 $0x50  }
0x5: {  	s29 =	simm.s32 $0x1;
	s30 =	simm.s32 $0x0;
	s5 =	smul.u32 $0x280, s0  }
0x6: {  	s7 =	sand.u32 $0x1, s1;
	[smem:$0x7FF] =	sst s4;
	s10 =	smul.u32 $0x50000, s0  }
0x7: {  	s26 =	sshll.u32 s0, $0xC;
	s8 =	smul.u32 $0x2800, s7;
	s9 =	sshll.u32 s7, $0xB  }
0x8: {  	_ =	strace $0x80000047;
	s25 =	ssub.s32 $0x2, s7;
	s22 =	sadd.s32 s9, s6  }
0x9: {  	s7 =	sshrl.u32 s25, $0x1;
	s10 =	sshrl.u32 s10, $0x2;
	s5 =	sadd.s32 s8, s5  }
0xa: {  	s11 =	ssub.s32 s25, s7;
	s31 =	sadd.s32 s26, s22;
	s25 =	sshll.u32 s0, $0x6  }
0xb: {  	s26 =	simm.s32 $0x2;
	s24 =	sshll.u32 s5, $0x4;
	s5 =	sadd.s32 $0x1D600, s6  }
0xc: {  	s7 =	sadd.s32 $0xD600, s31;
	s8 =	smax.u32 s11, $0x1;
	s25 =	sor.u32 $0x1C02, s25  }
0xd: {  	s23 =	sadd.s32 s24, s6;
	s6 =	sadd.s32 s10, s3;
	s24 =	simm.s32 $0x4000  }
0xe: {  	s9 =	sadd.s32 $0x2800, s6;
	s10 =	sadd.s32 $0x5000, s6;
	s11 =	sadd.s32 $0x7800, s6  }
0xf: {  	s12 =	sadd.s32 $0xA000, s6;
	s13 =	sadd.s32 $0xC800, s6;
	s14 =	sadd.s32 $0xF000, s6  }
0x10: {  	s15 =	sadd.s32 $0x11800, s6;
	s16 =	sadd.s32 $0x1DC00, s23;
	s17 =	sadd.s32 $0x1E100, s23  }
0x11: {  	s18 =	sadd.s32 $0x1E600, s23;
	s19 =	sadd.s32 $0x1EB00, s23;
	s20 =	sadd.s32 $0x1F000, s23  }
0x12: {  	s21 =	sadd.s32 $0x1F500, s23;
	s22 =	sadd.s32 $0x1FA00, s23;
	s23 =	sadd.s32 $0x1FF00, s23  }
.LBB2_1:
0x13: {  	[tilespmem:s24], [sflag:$0x2] =	stream.linear.gather [hbm4b:s2+s4], $0x2800, $0x38;
	[tilespmem:$0x1A800] =	vst v63  }
0x14: {  	_ =	swait.ge [sflag:s26], $0x2800  }
0x15: {  	[sflag:s26] =	ssyncset.done $0x0  }
0x16: {  	[sflag:s26] =	ssyncadd.s32 $0xFFFFD800  }
0x17: {  	[tilespmem:s4], [sflag:$0x2] =	stream.linear.gather [hbm4b:s7+s4], $0x3E80, $0x38;
	[tilespmem:$0x1A800] =	vst v63  }
0x18: {  	_ =	swait.ge [sflag:s26], $0x3E80  }
0x19: {  	[sflag:s26] =	ssyncset.done $0x0  }
0x1a: {  	s31 =	sshrl.u32 s6, $0x3;
	[sflag:s26] =	ssyncadd.s32 $0xFFFFC180  }
0x1b: {  	[spmem:s31], [sflag:s25] =	dma.local [hbm:s5], $0x500  }
0x1c: {  	_ =	swait.ge [sflag:s26], $0x500  }
0x1d: {  	[sflag:s26] =	ssyncset.done $0x0  }
0x1e: {  	s31 =	sshrl.u32 s9, $0x3;
	[sflag:s26] =	ssyncadd.s32 $0xFFFFFB00  }
0x1f: {  	[spmem:s31], [sflag:s25] =	dma.local [hbm:s5], $0x500  }
0x20: {  	_ =	swait.ge [sflag:s26], $0x500  }
0x21: {  	[sflag:s26] =	ssyncset.done $0x0  }
0x22: {  	s31 =	sshrl.u32 s10, $0x3;
	[sflag:s26] =	ssyncadd.s32 $0xFFFFFB00  }
0x23: {  	[spmem:s31], [sflag:s25] =	dma.local [hbm:s5], $0x500  }
0x24: {  	_ =	swait.ge [sflag:s26], $0x500  }
0x25: {  	[sflag:s26] =	ssyncset.done $0x0  }
0x26: {  	s31 =	sshrl.u32 s11, $0x3;
	[sflag:s26] =	ssyncadd.s32 $0xFFFFFB00  }
0x27: {  	[spmem:s31], [sflag:s25] =	dma.local [hbm:s5], $0x500  }
0x28: {  	_ =	swait.ge [sflag:s26], $0x500  }
0x29: {  	[sflag:s26] =	ssyncset.done $0x0  }
0x2a: {  	s31 =	sshrl.u32 s12, $0x3;
	[sflag:s26] =	ssyncadd.s32 $0xFFFFFB00  }
0x2b: {  	[spmem:s31], [sflag:s25] =	dma.local [hbm:s5], $0x500  }
0x2c: {  	_ =	swait.ge [sflag:s26], $0x500  }
0x2d: {  	[sflag:s26] =	ssyncset.done $0x0  }
0x2e: {  	s31 =	sshrl.u32 s13, $0x3;
	[sflag:s26] =	ssyncadd.s32 $0xFFFFFB00  }
0x2f: {  	[spmem:s31], [sflag:s25] =	dma.local [hbm:s5], $0x500  }
0x30: {  	_ =	swait.ge [sflag:s26], $0x500  }
0x31: {  	[sflag:s26] =	ssyncset.done $0x0  }
0x32: {  	s31 =	sshrl.u32 s14, $0x3;
	[sflag:s26] =	ssyncadd.s32 $0xFFFFFB00  }
0x33: {  	[spmem:s31], [sflag:s25] =	dma.local [hbm:s5], $0x500  }
0x34: {  	_ =	swait.ge [sflag:s26], $0x500  }
0x35: {  	[sflag:s26] =	ssyncset.done $0x0  }
0x36: {  	s31 =	sshrl.u32 s15, $0x3;
	[sflag:s26] =	ssyncadd.s32 $0xFFFFFB00  }
0x37: {  	[spmem:s31], [sflag:s25] =	dma.local [hbm:s5], $0x500  }
0x38: {  	_ =	swait.ge [sflag:s26], $0x500  }
0x39: {  	[sflag:s26] =	ssyncset.done $0x0  }
0x3a: {  	[sflag:s26] =	ssyncadd.s32 $0xFFFFFB00  }
0x3b: {  	s31 =	simm.s32 $0x0;
	[bflag:$0x0] =	sbarrier.arrive $0xFFFF  }
.LBB2_2:
0x3c: {  	p0 =	sne.s32 s31, $0xF800  }
.Ltmp0:
0x3d: {  	_ = 	snop;
	(pc) =	sbr.rel @p0 .LBB2_2-.Ltmp0, $3  }
0x3e: {  	_ =	sdelay $0x1  }
0x3f: {  	s1 =	sshra.s32 s31, $0x2;
	s31 =	sadd.s32 $0x200, s31  }
0x40: {  	[spmem:s3] =	stream.indirect.scatter.add.f32 [tilespmem:s24], [sflag:$0x1], $0x80, s1, s28, $0xb8;
	[tilespmem:$0x1A800] =	vst v63  }
0x41: {  	_ =	swait.ge [sflag:s29], $0x2800  }
0x42: {  	s31 =	simm.s32 $0x7C;
	[sflag:s29] =	ssyncset.done $0x0  }
.LBB2_4:
0x43: {  	p0 =	sne.s32 s31, $0x1;
	s31 =	sadd.s32 $0xFFFFFFFF, s31;
	[sflag:s29] =	ssyncadd.s32 $0xFFFFD800  }
.Ltmp1:
0x44: {  	(pc) =	sbr.rel @p0 .LBB2_4-.Ltmp1, $3  }
0x45: {  	_ =	sdelay $0x1  }
0x46: {  	_ =	swait.ge [sflag:s29], $0x2800  }
0x47: {  	[sflag:s29] =	ssyncset.done $0x0  }
0x48: {  	[sflag:s29] =	ssyncadd.s32 $0xFFFFD800  }
0x49: {  	[bflag:$0x0] =	sbarrier.arrive $0xFFFF  }
0x4a: {  	[tilespmem:s24], [sflag:$0x2] =	stream.linear.gather [spmem:s6], $0x2800, $0x38;
	[tilespmem:$0x1A800] =	vst v63  }
0x4b: {  	_ =	swait.ge [sflag:s26], $0x2800  }
0x4c: {  	[sflag:s26] =	ssyncset.done $0x0  }
0x4d: {  	[sflag:s26] =	ssyncadd.s32 $0xFFFFD800  }
0x4e: {  	[hbm4b:s16+s4] =	stream.linear.scatter [tilespmem:s24], [sflag:$0x2], $0x2800, $0x38;
	[tilespmem:$0x1A800] =	vst v63  }
0x4f: {  	_ =	swait.ge [sflag:s26], $0x2800  }
0x50: {  	[sflag:s26] =	ssyncset.done $0x0  }
0x51: {  	[sflag:s26] =	ssyncadd.s32 $0xFFFFD800  }
0x52: {  	[tilespmem:s24], [sflag:$0x2] =	stream.linear.gather [spmem:s9], $0x2800, $0x38;
	[tilespmem:$0x1A800] =	vst v63  }
0x53: {  	_ =	swait.ge [sflag:s26], $0x2800  }
0x54: {  	[sflag:s26] =	ssyncset.done $0x0  }
0x55: {  	[sflag:s26] =	ssyncadd.s32 $0xFFFFD800  }
0x56: {  	[hbm4b:s17+s4] =	stream.linear.scatter [tilespmem:s24], [sflag:$0x2], $0x2800, $0x38;
	[tilespmem:$0x1A800] =	vst v63  }
0x57: {  	_ =	swait.ge [sflag:s26], $0x2800  }
0x58: {  	[sflag:s26] =	ssyncset.done $0x0  }
0x59: {  	[sflag:s26] =	ssyncadd.s32 $0xFFFFD800  }
0x5a: {  	[tilespmem:s24], [sflag:$0x2] =	stream.linear.gather [spmem:s10], $0x2800, $0x38;
	[tilespmem:$0x1A800] =	vst v63  }
0x5b: {  	_ =	swait.ge [sflag:s26], $0x2800  }
0x5c: {  	[sflag:s26] =	ssyncset.done $0x0  }
0x5d: {  	[sflag:s26] =	ssyncadd.s32 $0xFFFFD800  }
0x5e: {  	[hbm4b:s18+s4] =	stream.linear.scatter [tilespmem:s24], [sflag:$0x2], $0x2800, $0x38;
	[tilespmem:$0x1A800] =	vst v63  }
0x5f: {  	_ =	swait.ge [sflag:s26], $0x2800  }
0x60: {  	[sflag:s26] =	ssyncset.done $0x0  }
0x61: {  	[sflag:s26] =	ssyncadd.s32 $0xFFFFD800  }
0x62: {  	[tilespmem:s24], [sflag:$0x2] =	stream.linear.gather [spmem:s11], $0x2800, $0x38;
	[tilespmem:$0x1A800] =	vst v63  }
0x63: {  	_ =	swait.ge [sflag:s26], $0x2800  }
0x64: {  	[sflag:s26] =	ssyncset.done $0x0  }
0x65: {  	[sflag:s26] =	ssyncadd.s32 $0xFFFFD800  }
0x66: {  	[hbm4b:s19+s4] =	stream.linear.scatter [tilespmem:s24], [sflag:$0x2], $0x2800, $0x38;
	[tilespmem:$0x1A800] =	vst v63  }
0x67: {  	_ =	swait.ge [sflag:s26], $0x2800  }
0x68: {  	[sflag:s26] =	ssyncset.done $0x0  }
0x69: {  	[sflag:s26] =	ssyncadd.s32 $0xFFFFD800  }
0x6a: {  	[tilespmem:s24], [sflag:$0x2] =	stream.linear.gather [spmem:s12], $0x2800, $0x38;
	[tilespmem:$0x1A800] =	vst v63  }
0x6b: {  	_ =	swait.ge [sflag:s26], $0x2800  }
0x6c: {  	[sflag:s26] =	ssyncset.done $0x0  }
0x6d: {  	[sflag:s26] =	ssyncadd.s32 $0xFFFFD800  }
0x6e: {  	[hbm4b:s20+s4] =	stream.linear.scatter [tilespmem:s24], [sflag:$0x2], $0x2800, $0x38;
	[tilespmem:$0x1A800] =	vst v63  }
0x6f: {  	_ =	swait.ge [sflag:s26], $0x2800  }
0x70: {  	[sflag:s26] =	ssyncset.done $0x0  }
0x71: {  	[sflag:s26] =	ssyncadd.s32 $0xFFFFD800  }
0x72: {  	[tilespmem:s24], [sflag:$0x2] =	stream.linear.gather [spmem:s13], $0x2800, $0x38;
	[tilespmem:$0x1A800] =	vst v63  }
0x73: {  	_ =	swait.ge [sflag:s26], $0x2800  }
0x74: {  	[sflag:s26] =	ssyncset.done $0x0  }
0x75: {  	[sflag:s26] =	ssyncadd.s32 $0xFFFFD800  }
0x76: {  	[hbm4b:s21+s4] =	stream.linear.scatter [tilespmem:s24], [sflag:$0x2], $0x2800, $0x38;
	[tilespmem:$0x1A800] =	vst v63  }
0x77: {  	_ =	swait.ge [sflag:s26], $0x2800  }
0x78: {  	[sflag:s26] =	ssyncset.done $0x0  }
0x79: {  	[sflag:s26] =	ssyncadd.s32 $0xFFFFD800  }
0x7a: {  	[tilespmem:s24], [sflag:$0x2] =	stream.linear.gather [spmem:s14], $0x2800, $0x38;
	[tilespmem:$0x1A800] =	vst v63  }
0x7b: {  	_ =	swait.ge [sflag:s26], $0x2800  }
0x7c: {  	[sflag:s26] =	ssyncset.done $0x0  }
0x7d: {  	[sflag:s26] =	ssyncadd.s32 $0xFFFFD800  }
0x7e: {  	[hbm4b:s22+s4] =	stream.linear.scatter [tilespmem:s24], [sflag:$0x2], $0x2800, $0x38;
	[tilespmem:$0x1A800] =	vst v63  }
0x7f: {  	_ =	swait.ge [sflag:s26], $0x2800  }
0x80: {  	[sflag:s26] =	ssyncset.done $0x0  }
0x81: {  	[sflag:s26] =	ssyncadd.s32 $0xFFFFD800  }
0x82: {  	[tilespmem:s24], [sflag:$0x2] =	stream.linear.gather [spmem:s15], $0x2800, $0x38;
	[tilespmem:$0x1A800] =	vst v63  }
0x83: {  	s30 =	sadd.s32 $0x1, s30;
	_ =	swait.ge [sflag:s26], $0x2800  }
0x84: {  	p0 =	sne.s32 s30, s8;
	[sflag:s26] =	ssyncset.done $0x0  }
.Ltmp2:
0x85: {  	[sflag:s26] =	ssyncadd.s32 $0xFFFFD800;
	(pc) =	sbr.rel @p0 .LBB2_1-.Ltmp2, $4  }
0x86: {  	[hbm4b:s23+s4] =	stream.linear.scatter [tilespmem:s24], [sflag:$0x2], $0x2800, $0x38;
	[tilespmem:$0x1A800] =	vst v63  }
0x87: {  	_ =	swait.ge [sflag:s26], $0x2800  }
0x88: {  	[sflag:s26] =	ssyncset.done $0x0  }
0x89: {  	[sflag:s26] =	ssyncadd.s32 $0xFFFFD800  }
0x8a: {  	_ =	sfence.sel $0x180000  }
0x8b: {  	[bflag:$0x0] =	sbarrier.arrive $0xFFFF  }
0x8c: {  	_ =	strace $0x90000047  }
0x8d: {  	[bflag:$0x2] =	sbarrier.arrive $0xFFFF  }
0x8e: {  	p0 =	sne.s32 s0, $0x0;
	s0 =	rddreg [dreg:$0x3]  }
0x8f: {  	s0 =	sadd.s32 @!p0 $0x100000, s0  }
0x90: {  	[sflag:s0] =	ssyncadd.tile.s32 @!p0 $0x1;
	_ =	shalt  }
.Lfunc_end2:
_tile_overlayer_lowered:
.L_overlay_start_2:
0x91: {  	(tag) =	ssettag $0x2  }
0x92: {  	s0 =	rddreg [dreg:$0x0];
	s2 =	stileid.u32  }
0x93: {  	s1 =	rddreg [dreg:$0x1];
	p0 =	sne.s32 s2, $0x0  }
0x94: {  	s3 =	rddreg [dreg:$0x2];
	[bflag:$0x3] =	sbarrier.arrive $0xFFFF;
	s2 =	simm.s32 @!p0 $0x1C02  }
0x95: {  	[timem:s3], [sflag:s2] =	dma.local @!p0 [hbm:s0], s1  }
0x96: {  	s0 =	simm.s32 @!p0 $0x2  }
0x97: {  	_ =	swait.ge @!p0 [sflag:s0], s1  }
0x98: {  	s1 =	ssub.s32 @!p0 $0x0, s1;
	[sflag:s0] =	ssyncset.done @!p0 $0x0  }
0x99: {  	[sflag:s0] =	ssyncadd.s32 @!p0 s1  }
0x9a: {  	[bflag:$0x3] =	sbarrier.arrive $0xFFFF  }
0x9b: {  	_ =	shalt  }

</sc_bundles>
